<compile_context>
chip_gen: v7x
topology: tpu7x:2x2x1
jax: 0.10.2.dev20260603
libtpu: 0.0.44.dev20260713+nightly
codegen_flags: <defaults>
</compile_context>

<pallas_src>
import functools

import jax
import jax.numpy as jnp
from jax import lax
from jax.experimental import pallas as pl
from jax.experimental.pallas import tpu as pltpu
from jax.experimental.pallas import tpu_sc as plsc

B = 128
T = 1024
C = 192
CP = 256
ROWS = B * T

NUM_CORES = 2
NUM_SUBCORES = 16
BATCHES_PER_WORKER = B // (NUM_CORES * NUM_SUBCORES)
BLK = 128
ITERS = BATCHES_PER_WORKER * T // BLK
CHUNKS_PER_BATCH = T // BLK


def _sc_spiral(x, abs_idx):
    mesh = plsc.VectorSubcoreMesh(core_axis_name="c", subcore_axis_name="s")

    @functools.partial(
        pl.kernel,
        mesh=mesh,
        compiler_params=pltpu.CompilerParams(use_tc_tiling_on_sc=True),
        out_type=(
            jax.ShapeDtypeStruct((B, T, C), jnp.float32),
            jax.ShapeDtypeStruct((ROWS, CP), jnp.float32),
        ),
        scratch_types=[
            pltpu.VMEM((BLK, C), jnp.float32),
            pltpu.VMEM((BLK, CP), jnp.float32),
            pltpu.VMEM((BLK,), jnp.int32),
            pltpu.SemaphoreType.DMA,
            pltpu.SemaphoreType.DMA,
        ],
    )
    def k(x_hbm, idx_hbm, out_hbm, pad_hbm, nar_v, wide_v, idx_v, gsem, wsem):
        cid = lax.axis_index("c")
        sid = lax.axis_index("s")
        b0 = cid * (B // NUM_CORES) + sid * BATCHES_PER_WORKER

        def widen_rows(r, carry):
            for c in range(C // 16):
                wide_v[r, pl.ds(16 * c, 16)] = nar_v[r, pl.ds(16 * c, 16)]
            return carry

        def narrow_rows(r, carry):
            for c in range(C // 16):
                nar_v[r, pl.ds(16 * c, 16)] = wide_v[r, pl.ds(16 * c, 16)]
            return carry

        def widen_block(i, carry):
            b = b0 + i // CHUNKS_PER_BATCH
            t0 = (i % CHUNKS_PER_BATCH) * BLK
            pltpu.async_copy(
                x_hbm.at[b].at[pl.ds(t0, BLK)], nar_v, gsem
            ).wait()
            lax.fori_loop(0, BLK, widen_rows, 0)
            pltpu.async_copy(
                wide_v, pad_hbm.at[pl.ds(b * T + t0, BLK)], wsem
            ).wait()
            return carry

        lax.fori_loop(0, ITERS, widen_block, 0)
        plsc.subcore_barrier()

        def gather_chunk(i, carry):
            b = b0 + i // CHUNKS_PER_BATCH
            t0 = (i % CHUNKS_PER_BATCH) * BLK
            pltpu.async_copy(
                idx_hbm.at[pl.ds(b * T + t0, BLK)], idx_v, gsem
            ).wait()
            pltpu.async_copy(pad_hbm.at[idx_v], wide_v, gsem).wait()
            lax.fori_loop(0, BLK, narrow_rows, 0)
            pltpu.async_copy(
                nar_v, out_hbm.at[b].at[pl.ds(t0, BLK)], wsem
            ).wait()
            return carry

        lax.fori_loop(0, ITERS, gather_chunk, 0)

    out, _ = k(x, abs_idx)
    return out


def kernel(x, forward_shuffle_idx):
    idx = forward_shuffle_idx.astype(jnp.int32)
    abs_idx = (
        jnp.arange(B, dtype=jnp.int32)[:, None] * T + idx[None, :]
    ).reshape(ROWS)
    return _sc_spiral(x, abs_idx)

# --- scband reference (transcript-rebuilt; emitter-appended) ---
"""Pipeline reference for scband-spiral-out-65798898975110 (READ-ONLY COPY).

The authoritative reference and input builder live on the scoring server;
editing this copy changes nothing except your own understanding.
"""

import jax, jax.numpy as jnp
import numpy as np


def spiral_out_idx(size):
    indices = np.arange(size * size).reshape(size, size)
    i0 = size // 2
    j0 = size // 2 - 1
    i = i0
    j = j0
    idx = [indices[i0, j0]]
    step_mult = 0
    for c in range(1, size // 2 + 1):
        step_mult += 1
        for k in range(step_mult):
            i = i - 1
            idx.append(indices[i, j])
        for k in range(step_mult):
            j = j + 1
            idx.append(indices[i, j])
        step_mult += 1
        if c < size // 2:
            for k in range(step_mult):
                i = i + 1
                idx.append(indices[i, j])
            for k in range(step_mult):
                j = j - 1
                idx.append(indices[i, j])
        else:
            for k in range(step_mult - 1):
                i = i + 1
                idx.append(indices[i, j])
    assert len(idx) == size * size
    return np.asarray(idx, dtype=np.int64)


def setup_inputs(seed: int = 0) -> dict:
    key = jax.random.key(seed)
    H = W = 32
    B = 128
    C = 192
    x = jax.random.normal(jax.random.fold_in(key, 0), (B, H * W, C), dtype=jnp.float32)
    forward_shuffle_idx = jnp.asarray(spiral_out_idx(W), dtype=jnp.int64)
    return {"x": x, "forward_shuffle_idx": forward_shuffle_idx}


def reference(x, forward_shuffle_idx):
    # SpiralOut.forward with reverse=False: gather along token axis
    return jnp.take(x, forward_shuffle_idx, axis=1)

if __name__ == "__main__":
    import jax
    _d = setup_inputs()
    print(jax.jit(kernel)(*tuple(_d.values())))

</pallas_src>

<mosaic_0001>
#map = affine_map<(d0, d1) -> (0, 0, 0)>
#map1 = affine_map<(d0, d1) -> (0)>
#map2 = affine_map<(d0, d1) -> (0, 0)>
module attributes {stable_mosaic.version = 14 : i64} {
  func.func @k(%arg0: i32, %arg1: i32, %arg2: memref<128x1024x192xf32, #tpu.memory_space<hbm>>, %arg3: memref<131072xi32, #tpu.memory_space<hbm>>, %arg4: memref<128x1024x192xf32, #tpu.memory_space<hbm>>, %arg5: memref<131072x256xf32, #tpu.memory_space<hbm>>, %arg6: memref<128x192xf32, #tpu.memory_space<vmem>>, %arg7: memref<128x256xf32, #tpu.memory_space<vmem>>, %arg8: memref<128xi32, #tpu.memory_space<vmem>>, %arg9: memref<!tpu.dma_semaphore, #tpu.memory_space<semaphore_mem>>, %arg10: memref<!tpu.dma_semaphore, #tpu.memory_space<semaphore_mem>>) attributes {dimension_semantics = [#tpu.dimension_semantics<core_parallel>, #tpu.dimension_semantics<subcore_parallel>], iteration_bounds = array<i64: 2, 16>, scalar_prefetch = 0 : i64, scratch_operands = 5 : i64, tpu.core_type = #tpu.core_type<sc_vector_subcore>, window_params = [{transform_indices = #map}, {transform_indices = #map1}, {transform_indices = #map}, {transform_indices = #map2}]} {
    %mul3A = arith.constant 64 : i32
    %mul3A_0 = arith.muli %arg0, %mul3A : i32
    %mul3A_1 = arith.constant 4 : i32
    %mul3A_2 = arith.muli %arg1, %mul3A_1 : i32
    %add3A = arith.addi %mul3A_0, %mul3A_2 : i32
    %scan3A = arith.constant 0 : i32
    %scan3A_3 = arith.constant 0 : i32
    %scan3A_4 = arith.constant 32 : i32
    %scan3A_5 = arith.addi %scan3A_3, %scan3A_4 : i32
    %scan3A_6 = arith.constant 1 : i32
    scf.for %scan3A_14 = %scan3A_3 to %scan3A_5 step %scan3A_6  : i32 {
      %jit3A = arith.constant 8 : i32
      %div3A = arith.divsi %scan3A_14, %jit3A : i32
      %sign3A = arith.constant 0 : i32
      %sign3A_15 = arith.cmpi sgt, %scan3A_14, %sign3A : i32
      %sign3A_16 = arith.extui %sign3A_15 : i1 to i32
      %sign3A_17 = arith.constant 0 : i32
      %sign3A_18 = arith.cmpi slt, %scan3A_14, %sign3A_17 : i32
      %sign3A_19 = arith.extui %sign3A_18 : i1 to i32
      %sign3A_20 = arith.subi %sign3A_16, %sign3A_19 : i32
      %sign3A_21 = arith.constant 0 : i32
      %sign3A_22 = arith.cmpi sgt, %jit3A, %sign3A_21 : i32
      %sign3A_23 = arith.extui %sign3A_22 : i1 to i32
      %sign3A_24 = arith.constant 0 : i32
      %sign3A_25 = arith.cmpi slt, %jit3A, %sign3A_24 : i32
      %sign3A_26 = arith.extui %sign3A_25 : i1 to i32
      %sign3A_27 = arith.subi %sign3A_23, %sign3A_26 : i32
      %ne3A = arith.cmpi ne, %sign3A_20, %sign3A_27 : i32
      %rem3A = arith.remsi %scan3A_14, %jit3A : i32
      %ne3A_28 = arith.constant 0 : i32
      %ne3A_29 = arith.cmpi ne, %rem3A, %ne3A_28 : i32
      %and3A = arith.andi %ne3A, %ne3A_29 : i1
      %sub3A = arith.constant 1 : i32
      %sub3A_30 = arith.subi %div3A, %sub3A : i32
      %select_n3A = arith.select %and3A, %sub3A_30, %div3A : i32
      %add3A_31 = arith.addi %add3A, %select_n3A : i32
      %jit3A_32 = arith.constant 8 : i32
      %eq3A = arith.constant 0 : i32
      %eq3A_33 = arith.cmpi eq, %jit3A_32, %eq3A : i32
      %jit3A_34 = arith.constant 1 : i32
      %select_n3A_35 = arith.select %eq3A_33, %jit3A_34, %jit3A_32 : i32
      %rem3A_36 = arith.remsi %scan3A_14, %select_n3A_35 : i32
      %ne3A_37 = arith.constant 0 : i32
      %ne3A_38 = arith.cmpi ne, %rem3A_36, %ne3A_37 : i32
      %lt3A = arith.constant 0 : i32
      %lt3A_39 = arith.cmpi slt, %rem3A_36, %lt3A : i32
      %lt3A_40 = arith.constant 0 : i32
      %lt3A_41 = arith.cmpi slt, %select_n3A_35, %lt3A_40 : i32
      %ne3A_42 = arith.xori %lt3A_39, %lt3A_41 : i1
      %and3A_43 = arith.andi %ne3A_42, %ne3A_38 : i1
      %add3A_44 = arith.addi %rem3A_36, %select_n3A_35 : i32
      %select_n3A_45 = arith.select %and3A_43, %add3A_44, %rem3A_36 : i32
      %mul3A_46 = arith.constant 128 : i32
      %mul3A_47 = arith.muli %select_n3A_45, %mul3A_46 : i32
      %dma_start3A = arith.constant 0 : i32
      %dma_start3A_48 = arith.constant 0 : i32
      %dma_start3A_49 = tpu.memref_slice %arg2[%add3A_31, %dma_start3A, %dma_start3A_48] : memref<128x1024x192xf32, #tpu.memory_space<hbm>> -> memref<1x1024x192xf32, #tpu.memory_space<hbm>>
      %dma_start3A_50 = tpu.memref_squeeze %dma_start3A_49 : memref<1x1024x192xf32, #tpu.memory_space<hbm>> -> memref<1024x192xf32, #tpu.memory_space<hbm>>
      %dma_start3A_51 = arith.constant 0 : i32
      %dma_start3A_52 = tpu.memref_slice %dma_start3A_50[%mul3A_47, %dma_start3A_51] : memref<1024x192xf32, #tpu.memory_space<hbm>> -> memref<128x192xf32, #tpu.memory_space<hbm>>
      %dma_start3A_53 = arith.constant 0 : i32
      %dma_start3A_54 = arith.constant 0 : i32
      %dma_start3A_55 = tpu.memref_slice %arg2[%add3A_31, %dma_start3A_53, %dma_start3A_54] : memref<128x1024x192xf32, #tpu.memory_space<hbm>> -> memref<1x1024x192xf32, #tpu.memory_space<hbm>>
      %dma_start3A_56 = tpu.memref_squeeze %dma_start3A_55 : memref<1x1024x192xf32, #tpu.memory_space<hbm>> -> memref<1024x192xf32, #tpu.memory_space<hbm>>
      %dma_start3A_57 = arith.constant 0 : i32
      %dma_start3A_58 = tpu.memref_slice %dma_start3A_56[%mul3A_47, %dma_start3A_57] : memref<1024x192xf32, #tpu.memory_space<hbm>> -> memref<128x192xf32, #tpu.memory_space<hbm>>
      tpu.enqueue_dma source(%dma_start3A_58 : memref<128x192xf32, #tpu.memory_space<hbm>>) target(%arg6 : memref<128x192xf32, #tpu.memory_space<vmem>>) target_semaphore(%arg9 : memref<!tpu.dma_semaphore, #tpu.memory_space<semaphore_mem>>)
      %dma_wait3A = arith.constant 0 : i32
      %dma_wait3A_59 = arith.constant 0 : i32
      %dma_wait3A_60 = tpu.memref_slice %arg2[%add3A_31, %dma_wait3A, %dma_wait3A_59] : memref<128x1024x192xf32, #tpu.memory_space<hbm>> -> memref<1x1024x192xf32, #tpu.memory_space<hbm>>
      %dma_wait3A_61 = tpu.memref_squeeze %dma_wait3A_60 : memref<1x1024x192xf32, #tpu.memory_space<hbm>> -> memref<1024x192xf32, #tpu.memory_space<hbm>>
      %dma_wait3A_62 = arith.constant 0 : i32
      %dma_wait3A_63 = tpu.memref_slice %dma_wait3A_61[%mul3A_47, %dma_wait3A_62] : memref<1024x192xf32, #tpu.memory_space<hbm>> -> memref<128x192xf32, #tpu.memory_space<hbm>>
      %dma_wait3A_64 = arith.constant 0 : i32
      %dma_wait3A_65 = arith.constant 0 : i32
      %dma_wait3A_66 = tpu.memref_slice %arg2[%add3A_31, %dma_wait3A_64, %dma_wait3A_65] : memref<128x1024x192xf32, #tpu.memory_space<hbm>> -> memref<1x1024x192xf32, #tpu.memory_space<hbm>>
      %dma_wait3A_67 = tpu.memref_squeeze %dma_wait3A_66 : memref<1x1024x192xf32, #tpu.memory_space<hbm>> -> memref<1024x192xf32, #tpu.memory_space<hbm>>
      %dma_wait3A_68 = arith.constant 0 : i32
      %dma_wait3A_69 = tpu.memref_slice %dma_wait3A_67[%mul3A_47, %dma_wait3A_68] : memref<1024x192xf32, #tpu.memory_space<hbm>> -> memref<128x192xf32, #tpu.memory_space<hbm>>
      tpu.wait_dma2 semaphore(%arg9 : memref<!tpu.dma_semaphore, #tpu.memory_space<semaphore_mem>>) src(%dma_wait3A_69 : memref<128x192xf32, #tpu.memory_space<hbm>>) dst(%arg6 : memref<128x192xf32, #tpu.memory_space<vmem>>)
      %scan3A_70 = arith.constant 0 : i32
      %scan3A_71 = arith.constant 0 : i32
      %scan3A_72 = arith.constant 128 : i32
      %scan3A_73 = arith.addi %scan3A_71, %scan3A_72 : i32
      %scan3A_74 = arith.constant 1 : i32
      scf.for %scan3A_87 = %scan3A_71 to %scan3A_73 step %scan3A_74  : i32 {
        %get3A = arith.index_cast %scan3A_87 : i32 to index
        %get3A_88 = arith.constant 0 : index
        %get3A_89 = tpu.vector_load %arg6[%get3A, %get3A_88] {strides = array<i32>} : memref<128x192xf32, #tpu.memory_space<vmem>>, vector<1x16xf32>,
        %get3A_90 = vector.shape_cast %get3A_89 : vector<1x16xf32> to vector<16xf32>
        %swap3A = arith.index_cast %scan3A_87 : i32 to index
        %swap3A_91 = arith.constant 0 : index
        %swap3A_92 = tpu.vector_load %arg7[%swap3A, %swap3A_91] {strides = array<i32>} : memref<128x256xf32, #tpu.memory_space<vmem>>, vector<1x16xf32>,
        %swap3A_93 = vector.shape_cast %swap3A_92 : vector<1x16xf32> to vector<16xf32>
        %swap3A_94 = vector.shape_cast %get3A_90 : vector<16xf32> to vector<1x16xf32>
        tpu.vector_store %arg7[%swap3A, %swap3A_91], %swap3A_94 {strides = array<i32>} : memref<128x256xf32, #tpu.memory_space<vmem>>, vector<1x16xf32>,
        %get3A_95 = arith.index_cast %scan3A_87 : i32 to index
        %get3A_96 = arith.constant 16 : index
        %get3A_97 = tpu.vector_load %arg6[%get3A_95, %get3A_96] {strides = array<i32>} : memref<128x192xf32, #tpu.memory_space<vmem>>, vector<1x16xf32>,
        %get3A_98 = vector.shape_cast %get3A_97 : vector<1x16xf32> to vector<16xf32>
        %swap3A_99 = arith.index_cast %scan3A_87 : i32 to index
        %swap3A_100 = arith.constant 16 : index
        %swap3A_101 = tpu.vector_load %arg7[%swap3A_99, %swap3A_100] {strides = array<i32>} : memref<128x256xf32, #tpu.memory_space<vmem>>, vector<1x16xf32>,
        %swap3A_102 = vector.shape_cast %swap3A_101 : vector<1x16xf32> to vector<16xf32>
        %swap3A_103 = vector.shape_cast %get3A_98 : vector<16xf32> to vector<1x16xf32>
        tpu.vector_store %arg7[%swap3A_99, %swap3A_100], %swap3A_103 {strides = array<i32>} : memref<128x256xf32, #tpu.memory_space<vmem>>, vector<1x16xf32>,
        %get3A_104 = arith.index_cast %scan3A_87 : i32 to index
        %get3A_105 = arith.constant 32 : index
        %get3A_106 = tpu.vector_load %arg6[%get3A_104, %get3A_105] {strides = array<i32>} : memref<128x192xf32, #tpu.memory_space<vmem>>, vector<1x16xf32>,
        %get3A_107 = vector.shape_cast %get3A_106 : vector<1x16xf32> to vector<16xf32>
        %swap3A_108 = arith.index_cast %scan3A_87 : i32 to index
        %swap3A_109 = arith.constant 32 : index
        %swap3A_110 = tpu.vector_load %arg7[%swap3A_108, %swap3A_109] {strides = array<i32>} : memref<128x256xf32, #tpu.memory_space<vmem>>, vector<1x16xf32>,
        %swap3A_111 = vector.shape_cast %swap3A_110 : vector<1x16xf32> to vector<16xf32>
        %swap3A_112 = vector.shape_cast %get3A_107 : vector<16xf32> to vector<1x16xf32>
        tpu.vector_store %arg7[%swap3A_108, %swap3A_109], %swap3A_112 {strides = array<i32>} : memref<128x256xf32, #tpu.memory_space<vmem>>, vector<1x16xf32>,
        %get3A_113 = arith.index_cast %scan3A_87 : i32 to index
        %get3A_114 = arith.constant 48 : index
        %get3A_115 = tpu.vector_load %arg6[%get3A_113, %get3A_114] {strides = array<i32>} : memref<128x192xf32, #tpu.memory_space<vmem>>, vector<1x16xf32>,
        %get3A_116 = vector.shape_cast %get3A_115 : vector<1x16xf32> to vector<16xf32>
        %swap3A_117 = arith.index_cast %scan3A_87 : i32 to index
        %swap3A_118 = arith.constant 48 : index
        %swap3A_119 = tpu.vector_load %arg7[%swap3A_117, %swap3A_118] {strides = array<i32>} : memref<128x256xf32, #tpu.memory_space<vmem>>, vector<1x16xf32>,
        %swap3A_120 = vector.shape_cast %swap3A_119 : vector<1x16xf32> to vector<16xf32>
        %swap3A_121 = vector.shape_cast %get3A_116 : vector<16xf32> to vector<1x16xf32>
        tpu.vector_store %arg7[%swap3A_117, %swap3A_118], %swap3A_121 {strides = array<i32>} : memref<128x256xf32, #tpu.memory_space<vmem>>, vector<1x16xf32>,
        %get3A_122 = arith.index_cast %scan3A_87 : i32 to index
        %get3A_123 = arith.constant 64 : index
        %get3A_124 = tpu.vector_load %arg6[%get3A_122, %get3A_123] {strides = array<i32>} : memref<128x192xf32, #tpu.memory_space<vmem>>, vector<1x16xf32>,
        %get3A_125 = vector.shape_cast %get3A_124 : vector<1x16xf32> to vector<16xf32>
        %swap3A_126 = arith.index_cast %scan3A_87 : i32 to index
        %swap3A_127 = arith.constant 64 : index
        %swap3A_128 = tpu.vector_load %arg7[%swap3A_126, %swap3A_127] {strides = array<i32>} : memref<128x256xf32, #tpu.memory_space<vmem>>, vector<1x16xf32>,
        %swap3A_129 = vector.shape_cast %swap3A_128 : vector<1x16xf32> to vector<16xf32>
        %swap3A_130 = vector.shape_cast %get3A_125 : vector<16xf32> to vector<1x16xf32>
        tpu.vector_store %arg7[%swap3A_126, %swap3A_127], %swap3A_130 {strides = array<i32>} : memref<128x256xf32, #tpu.memory_space<vmem>>, vector<1x16xf32>,
        %get3A_131 = arith.index_cast %scan3A_87 : i32 to index
        %get3A_132 = arith.constant 80 : index
        %get3A_133 = tpu.vector_load %arg6[%get3A_131, %get3A_132] {strides = array<i32>} : memref<128x192xf32, #tpu.memory_space<vmem>>, vector<1x16xf32>,
        %get3A_134 = vector.shape_cast %get3A_133 : vector<1x16xf32> to vector<16xf32>
        %swap3A_135 = arith.index_cast %scan3A_87 : i32 to index
        %swap3A_136 = arith.constant 80 : index
        %swap3A_137 = tpu.vector_load %arg7[%swap3A_135, %swap3A_136] {strides = array<i32>} : memref<128x256xf32, #tpu.memory_space<vmem>>, vector<1x16xf32>,
        %swap3A_138 = vector.shape_cast %swap3A_137 : vector<1x16xf32> to vector<16xf32>
        %swap3A_139 = vector.shape_cast %get3A_134 : vector<16xf32> to vector<1x16xf32>
        tpu.vector_store %arg7[%swap3A_135, %swap3A_136], %swap3A_139 {strides = array<i32>} : memref<128x256xf32, #tpu.memory_space<vmem>>, vector<1x16xf32>,
        %get3A_140 = arith.index_cast %scan3A_87 : i32 to index
        %get3A_141 = arith.constant 96 : index
        %get3A_142 = tpu.vector_load %arg6[%get3A_140, %get3A_141] {strides = array<i32>} : memref<128x192xf32, #tpu.memory_space<vmem>>, vector<1x16xf32>,
        %get3A_143 = vector.shape_cast %get3A_142 : vector<1x16xf32> to vector<16xf32>
        %swap3A_144 = arith.index_cast %scan3A_87 : i32 to index
        %swap3A_145 = arith.constant 96 : index
        %swap3A_146 = tpu.vector_load %arg7[%swap3A_144, %swap3A_145] {strides = array<i32>} : memref<128x256xf32, #tpu.memory_space<vmem>>, vector<1x16xf32>,
        %swap3A_147 = vector.shape_cast %swap3A_146 : vector<1x16xf32> to vector<16xf32>
        %swap3A_148 = vector.shape_cast %get3A_143 : vector<16xf32> to vector<1x16xf32>
        tpu.vector_store %arg7[%swap3A_144, %swap3A_145], %swap3A_148 {strides = array<i32>} : memref<128x256xf32, #tpu.memory_space<vmem>>, vector<1x16xf32>,
        %get3A_149 = arith.index_cast %scan3A_87 : i32 to index
        %get3A_150 = arith.constant 112 : index
        %get3A_151 = tpu.vector_load %arg6[%get3A_149, %get3A_150] {strides = array<i32>} : memref<128x192xf32, #tpu.memory_space<vmem>>, vector<1x16xf32>,
        %get3A_152 = vector.shape_cast %get3A_151 : vector<1x16xf32> to vector<16xf32>
        %swap3A_153 = arith.index_cast %scan3A_87 : i32 to index
        %swap3A_154 = arith.constant 112 : index
        %swap3A_155 = tpu.vector_load %arg7[%swap3A_153, %swap3A_154] {strides = array<i32>} : memref<128x256xf32, #tpu.memory_space<vmem>>, vector<1x16xf32>,
        %swap3A_156 = vector.shape_cast %swap3A_155 : vector<1x16xf32> to vector<16xf32>
        %swap3A_157 = vector.shape_cast %get3A_152 : vector<16xf32> to vector<1x16xf32>
        tpu.vector_store %arg7[%swap3A_153, %swap3A_154], %swap3A_157 {strides = array<i32>} : memref<128x256xf32, #tpu.memory_space<vmem>>, vector<1x16xf32>,
        %get3A_158 = arith.index_cast %scan3A_87 : i32 to index
        %get3A_159 = arith.constant 128 : index
        %get3A_160 = tpu.vector_load %arg6[%get3A_158, %get3A_159] {strides = array<i32>} : memref<128x192xf32, #tpu.memory_space<vmem>>, vector<1x16xf32>,
        %get3A_161 = vector.shape_cast %get3A_160 : vector<1x16xf32> to vector<16xf32>
        %swap3A_162 = arith.index_cast %scan3A_87 : i32 to index
        %swap3A_163 = arith.constant 128 : index
        %swap3A_164 = tpu.vector_load %arg7[%swap3A_162, %swap3A_163] {strides = array<i32>} : memref<128x256xf32, #tpu.memory_space<vmem>>, vector<1x16xf32>,
        %swap3A_165 = vector.shape_cast %swap3A_164 : vector<1x16xf32> to vector<16xf32>
        %swap3A_166 = vector.shape_cast %get3A_161 : vector<16xf32> to vector<1x16xf32>
        tpu.vector_store %arg7[%swap3A_162, %swap3A_163], %swap3A_166 {strides = array<i32>} : memref<128x256xf32, #tpu.memory_space<vmem>>, vector<1x16xf32>,
        %get3A_167 = arith.index_cast %scan3A_87 : i32 to index
        %get3A_168 = arith.constant 144 : index
        %get3A_169 = tpu.vector_load %arg6[%get3A_167, %get3A_168] {strides = array<i32>} : memref<128x192xf32, #tpu.memory_space<vmem>>, vector<1x16xf32>,
        %get3A_170 = vector.shape_cast %get3A_169 : vector<1x16xf32> to vector<16xf32>
        %swap3A_171 = arith.index_cast %scan3A_87 : i32 to index
        %swap3A_172 = arith.constant 144 : index
        %swap3A_173 = tpu.vector_load %arg7[%swap3A_171, %swap3A_172] {strides = array<i32>} : memref<128x256xf32, #tpu.memory_space<vmem>>, vector<1x16xf32>,
        %swap3A_174 = vector.shape_cast %swap3A_173 : vector<1x16xf32> to vector<16xf32>
        %swap3A_175 = vector.shape_cast %get3A_170 : vector<16xf32> to vector<1x16xf32>
        tpu.vector_store %arg7[%swap3A_171, %swap3A_172], %swap3A_175 {strides = array<i32>} : memref<128x256xf32, #tpu.memory_space<vmem>>, vector<1x16xf32>,
        %get3A_176 = arith.index_cast %scan3A_87 : i32 to index
        %get3A_177 = arith.constant 160 : index
        %get3A_178 = tpu.vector_load %arg6[%get3A_176, %get3A_177] {strides = array<i32>} : memref<128x192xf32, #tpu.memory_space<vmem>>, vector<1x16xf32>,
        %get3A_179 = vector.shape_cast %get3A_178 : vector<1x16xf32> to vector<16xf32>
        %swap3A_180 = arith.index_cast %scan3A_87 : i32 to index
        %swap3A_181 = arith.constant 160 : index
        %swap3A_182 = tpu.vector_load %arg7[%swap3A_180, %swap3A_181] {strides = array<i32>} : memref<128x256xf32, #tpu.memory_space<vmem>>, vector<1x16xf32>,
        %swap3A_183 = vector.shape_cast %swap3A_182 : vector<1x16xf32> to vector<16xf32>
        %swap3A_184 = vector.shape_cast %get3A_179 : vector<16xf32> to vector<1x16xf32>
        tpu.vector_store %arg7[%swap3A_180, %swap3A_181], %swap3A_184 {strides = array<i32>} : memref<128x256xf32, #tpu.memory_space<vmem>>, vector<1x16xf32>,
        %get3A_185 = arith.index_cast %scan3A_87 : i32 to index
        %get3A_186 = arith.constant 176 : index
        %get3A_187 = tpu.vector_load %arg6[%get3A_185, %get3A_186] {strides = array<i32>} : memref<128x192xf32, #tpu.memory_space<vmem>>, vector<1x16xf32>,
        %get3A_188 = vector.shape_cast %get3A_187 : vector<1x16xf32> to vector<16xf32>
        %swap3A_189 = arith.index_cast %scan3A_87 : i32 to index
        %swap3A_190 = arith.constant 176 : index
        %swap3A_191 = tpu.vector_load %arg7[%swap3A_189, %swap3A_190] {strides = array<i32>} : memref<128x256xf32, #tpu.memory_space<vmem>>, vector<1x16xf32>,
        %swap3A_192 = vector.shape_cast %swap3A_191 : vector<1x16xf32> to vector<16xf32>
        %swap3A_193 = vector.shape_cast %get3A_188 : vector<16xf32> to vector<1x16xf32>
        tpu.vector_store %arg7[%swap3A_189, %swap3A_190], %swap3A_193 {strides = array<i32>} : memref<128x256xf32, #tpu.memory_space<vmem>>, vector<1x16xf32>,
      }
      %scan3A_75 = arith.constant 128 : i32
      %mul3A_76 = arith.constant 1024 : i32
      %mul3A_77 = arith.muli %add3A_31, %mul3A_76 : i32
      %add3A_78 = arith.addi %mul3A_77, %mul3A_47 : i32
      %dma_start3A_79 = arith.constant 0 : i32
      %dma_start3A_80 = tpu.memref_slice %arg5[%add3A_78, %dma_start3A_79] : memref<131072x256xf32, #tpu.memory_space<hbm>> -> memref<128x256xf32, #tpu.memory_space<hbm>>
      %dma_start3A_81 = arith.constant 0 : i32
      %dma_start3A_82 = tpu.memref_slice %arg5[%add3A_78, %dma_start3A_81] : memref<131072x256xf32, #tpu.memory_space<hbm>> -> memref<128x256xf32, #tpu.memory_space<hbm>>
      tpu.enqueue_dma source(%arg7 : memref<128x256xf32, #tpu.memory_space<vmem>>) target(%dma_start3A_82 : memref<128x256xf32, #tpu.memory_space<hbm>>) target_semaphore(%arg10 : memref<!tpu.dma_semaphore, #tpu.memory_space<semaphore_mem>>)
      %dma_wait3A_83 = arith.constant 0 : i32
      %dma_wait3A_84 = tpu.memref_slice %arg5[%add3A_78, %dma_wait3A_83] : memref<131072x256xf32, #tpu.memory_space<hbm>> -> memref<128x256xf32, #tpu.memory_space<hbm>>
      %dma_wait3A_85 = arith.constant 0 : i32
      %dma_wait3A_86 = tpu.memref_slice %arg5[%add3A_78, %dma_wait3A_85] : memref<131072x256xf32, #tpu.memory_space<hbm>> -> memref<128x256xf32, #tpu.memory_space<hbm>>
      tpu.wait_dma2 semaphore(%arg10 : memref<!tpu.dma_semaphore, #tpu.memory_space<semaphore_mem>>) src(%arg7 : memref<128x256xf32, #tpu.memory_space<vmem>>) dst(%dma_wait3A_86 : memref<128x256xf32, #tpu.memory_space<hbm>>)
    }
    %scan3A_7 = arith.constant 32 : i32
    %barrier3A = arith.constant 0 : index
    tpu.barrier barrier_id(%barrier3A)
    %scan3A_8 = arith.constant 0 : i32
    %scan3A_9 = arith.constant 0 : i32
    %scan3A_10 = arith.constant 32 : i32
    %scan3A_11 = arith.addi %scan3A_9, %scan3A_10 : i32
    %scan3A_12 = arith.constant 1 : i32
    scf.for %scan3A_14 = %scan3A_9 to %scan3A_11 step %scan3A_12  : i32 {
      %jit3A = arith.constant 8 : i32
      %div3A = arith.divsi %scan3A_14, %jit3A : i32
      %sign3A = arith.constant 0 : i32
      %sign3A_15 = arith.cmpi sgt, %scan3A_14, %sign3A : i32
      %sign3A_16 = arith.extui %sign3A_15 : i1 to i32
      %sign3A_17 = arith.constant 0 : i32
      %sign3A_18 = arith.cmpi slt, %scan3A_14, %sign3A_17 : i32
      %sign3A_19 = arith.extui %sign3A_18 : i1 to i32
      %sign3A_20 = arith.subi %sign3A_16, %sign3A_19 : i32
      %sign3A_21 = arith.constant 0 : i32
      %sign3A_22 = arith.cmpi sgt, %jit3A, %sign3A_21 : i32
      %sign3A_23 = arith.extui %sign3A_22 : i1 to i32
      %sign3A_24 = arith.constant 0 : i32
      %sign3A_25 = arith.cmpi slt, %jit3A, %sign3A_24 : i32
      %sign3A_26 = arith.extui %sign3A_25 : i1 to i32
      %sign3A_27 = arith.subi %sign3A_23, %sign3A_26 : i32
      %ne3A = arith.cmpi ne, %sign3A_20, %sign3A_27 : i32
      %rem3A = arith.remsi %scan3A_14, %jit3A : i32
      %ne3A_28 = arith.constant 0 : i32
      %ne3A_29 = arith.cmpi ne, %rem3A, %ne3A_28 : i32
      %and3A = arith.andi %ne3A, %ne3A_29 : i1
      %sub3A = arith.constant 1 : i32
      %sub3A_30 = arith.subi %div3A, %sub3A : i32
      %select_n3A = arith.select %and3A, %sub3A_30, %div3A : i32
      %add3A_31 = arith.addi %add3A, %select_n3A : i32
      %jit3A_32 = arith.constant 8 : i32
      %eq3A = arith.constant 0 : i32
      %eq3A_33 = arith.cmpi eq, %jit3A_32, %eq3A : i32
      %jit3A_34 = arith.constant 1 : i32
      %select_n3A_35 = arith.select %eq3A_33, %jit3A_34, %jit3A_32 : i32
      %rem3A_36 = arith.remsi %scan3A_14, %select_n3A_35 : i32
      %ne3A_37 = arith.constant 0 : i32
      %ne3A_38 = arith.cmpi ne, %rem3A_36, %ne3A_37 : i32
      %lt3A = arith.constant 0 : i32
      %lt3A_39 = arith.cmpi slt, %rem3A_36, %lt3A : i32
      %lt3A_40 = arith.constant 0 : i32
      %lt3A_41 = arith.cmpi slt, %select_n3A_35, %lt3A_40 : i32
      %ne3A_42 = arith.xori %lt3A_39, %lt3A_41 : i1
      %and3A_43 = arith.andi %ne3A_42, %ne3A_38 : i1
      %add3A_44 = arith.addi %rem3A_36, %select_n3A_35 : i32
      %select_n3A_45 = arith.select %and3A_43, %add3A_44, %rem3A_36 : i32
      %mul3A_46 = arith.constant 128 : i32
      %mul3A_47 = arith.muli %select_n3A_45, %mul3A_46 : i32
      %mul3A_48 = arith.constant 1024 : i32
      %mul3A_49 = arith.muli %add3A_31, %mul3A_48 : i32
      %add3A_50 = arith.addi %mul3A_49, %mul3A_47 : i32
      %dma_start3A = tpu.memref_slice %arg3[%add3A_50] : memref<131072xi32, #tpu.memory_space<hbm>> -> memref<128xi32, #tpu.memory_space<hbm>>
      %dma_start3A_51 = tpu.memref_slice %arg3[%add3A_50] : memref<131072xi32, #tpu.memory_space<hbm>> -> memref<128xi32, #tpu.memory_space<hbm>>
      tpu.enqueue_dma source(%dma_start3A_51 : memref<128xi32, #tpu.memory_space<hbm>>) target(%arg8 : memref<128xi32, #tpu.memory_space<vmem>>) target_semaphore(%arg9 : memref<!tpu.dma_semaphore, #tpu.memory_space<semaphore_mem>>)
      %dma_wait3A = tpu.memref_slice %arg3[%add3A_50] : memref<131072xi32, #tpu.memory_space<hbm>> -> memref<128xi32, #tpu.memory_space<hbm>>
      %dma_wait3A_52 = tpu.memref_slice %arg3[%add3A_50] : memref<131072xi32, #tpu.memory_space<hbm>> -> memref<128xi32, #tpu.memory_space<hbm>>
      tpu.wait_dma2 semaphore(%arg9 : memref<!tpu.dma_semaphore, #tpu.memory_space<semaphore_mem>>) src(%dma_wait3A_52 : memref<128xi32, #tpu.memory_space<hbm>>) dst(%arg8 : memref<128xi32, #tpu.memory_space<vmem>>)
      %dma_start3A_53 = arith.constant 0 : i32
      %dma_start3A_54 = arith.constant 0 : i32
      %dma_start3A_55 = tpu.memref_slice %arg5[%dma_start3A_53, %dma_start3A_54] : memref<131072x256xf32, #tpu.memory_space<hbm>> -> memref<131072x256xf32, #tpu.memory_space<hbm>>
      tpu.enqueue_indirect_dma source(%dma_start3A_55 : memref<131072x256xf32, #tpu.memory_space<hbm>>) target(%arg7 : memref<128x256xf32, #tpu.memory_space<vmem>>) offsets(%arg8 : memref<128xi32, #tpu.memory_space<vmem>>) semaphore(%arg9 : memref<!tpu.dma_semaphore, #tpu.memory_space<semaphore_mem>>)
      %dma_wait3A_56 = arith.constant 0 : i32
      %dma_wait3A_57 = arith.constant 0 : i32
      %dma_wait3A_58 = tpu.memref_slice %arg5[%dma_wait3A_56, %dma_wait3A_57] : memref<131072x256xf32, #tpu.memory_space<hbm>> -> memref<131072x256xf32, #tpu.memory_space<hbm>>
      tpu.wait_indirect_dma semaphore(%arg9 : memref<!tpu.dma_semaphore, #tpu.memory_space<semaphore_mem>>) src(%dma_wait3A_58 : memref<131072x256xf32, #tpu.memory_space<hbm>>) dst(%arg7 : memref<128x256xf32, #tpu.memory_space<vmem>>)
      %scan3A_59 = arith.constant 0 : i32
      %scan3A_60 = arith.constant 0 : i32
      %scan3A_61 = arith.constant 128 : i32
      %scan3A_62 = arith.addi %scan3A_60, %scan3A_61 : i32
      %scan3A_63 = arith.constant 1 : i32
      scf.for %scan3A_89 = %scan3A_60 to %scan3A_62 step %scan3A_63  : i32 {
        %get3A = arith.index_cast %scan3A_89 : i32 to index
        %get3A_90 = arith.constant 0 : index
        %get3A_91 = tpu.vector_load %arg7[%get3A, %get3A_90] {strides = array<i32>} : memref<128x256xf32, #tpu.memory_space<vmem>>, vector<1x16xf32>,
        %get3A_92 = vector.shape_cast %get3A_91 : vector<1x16xf32> to vector<16xf32>
        %swap3A = arith.index_cast %scan3A_89 : i32 to index
        %swap3A_93 = arith.constant 0 : index
        %swap3A_94 = tpu.vector_load %arg6[%swap3A, %swap3A_93] {strides = array<i32>} : memref<128x192xf32, #tpu.memory_space<vmem>>, vector<1x16xf32>,
        %swap3A_95 = vector.shape_cast %swap3A_94 : vector<1x16xf32> to vector<16xf32>
        %swap3A_96 = vector.shape_cast %get3A_92 : vector<16xf32> to vector<1x16xf32>
        tpu.vector_store %arg6[%swap3A, %swap3A_93], %swap3A_96 {strides = array<i32>} : memref<128x192xf32, #tpu.memory_space<vmem>>, vector<1x16xf32>,
        %get3A_97 = arith.index_cast %scan3A_89 : i32 to index
        %get3A_98 = arith.constant 16 : index
        %get3A_99 = tpu.vector_load %arg7[%get3A_97, %get3A_98] {strides = array<i32>} : memref<128x256xf32, #tpu.memory_space<vmem>>, vector<1x16xf32>,
        %get3A_100 = vector.shape_cast %get3A_99 : vector<1x16xf32> to vector<16xf32>
        %swap3A_101 = arith.index_cast %scan3A_89 : i32 to index
        %swap3A_102 = arith.constant 16 : index
        %swap3A_103 = tpu.vector_load %arg6[%swap3A_101, %swap3A_102] {strides = array<i32>} : memref<128x192xf32, #tpu.memory_space<vmem>>, vector<1x16xf32>,
        %swap3A_104 = vector.shape_cast %swap3A_103 : vector<1x16xf32> to vector<16xf32>
        %swap3A_105 = vector.shape_cast %get3A_100 : vector<16xf32> to vector<1x16xf32>
        tpu.vector_store %arg6[%swap3A_101, %swap3A_102], %swap3A_105 {strides = array<i32>} : memref<128x192xf32, #tpu.memory_space<vmem>>, vector<1x16xf32>,
        %get3A_106 = arith.index_cast %scan3A_89 : i32 to index
        %get3A_107 = arith.constant 32 : index
        %get3A_108 = tpu.vector_load %arg7[%get3A_106, %get3A_107] {strides = array<i32>} : memref<128x256xf32, #tpu.memory_space<vmem>>, vector<1x16xf32>,
        %get3A_109 = vector.shape_cast %get3A_108 : vector<1x16xf32> to vector<16xf32>
        %swap3A_110 = arith.index_cast %scan3A_89 : i32 to index
        %swap3A_111 = arith.constant 32 : index
        %swap3A_112 = tpu.vector_load %arg6[%swap3A_110, %swap3A_111] {strides = array<i32>} : memref<128x192xf32, #tpu.memory_space<vmem>>, vector<1x16xf32>,
        %swap3A_113 = vector.shape_cast %swap3A_112 : vector<1x16xf32> to vector<16xf32>
        %swap3A_114 = vector.shape_cast %get3A_109 : vector<16xf32> to vector<1x16xf32>
        tpu.vector_store %arg6[%swap3A_110, %swap3A_111], %swap3A_114 {strides = array<i32>} : memref<128x192xf32, #tpu.memory_space<vmem>>, vector<1x16xf32>,
        %get3A_115 = arith.index_cast %scan3A_89 : i32 to index
        %get3A_116 = arith.constant 48 : index
        %get3A_117 = tpu.vector_load %arg7[%get3A_115, %get3A_116] {strides = array<i32>} : memref<128x256xf32, #tpu.memory_space<vmem>>, vector<1x16xf32>,
        %get3A_118 = vector.shape_cast %get3A_117 : vector<1x16xf32> to vector<16xf32>
        %swap3A_119 = arith.index_cast %scan3A_89 : i32 to index
        %swap3A_120 = arith.constant 48 : index
        %swap3A_121 = tpu.vector_load %arg6[%swap3A_119, %swap3A_120] {strides = array<i32>} : memref<128x192xf32, #tpu.memory_space<vmem>>, vector<1x16xf32>,
        %swap3A_122 = vector.shape_cast %swap3A_121 : vector<1x16xf32> to vector<16xf32>
        %swap3A_123 = vector.shape_cast %get3A_118 : vector<16xf32> to vector<1x16xf32>
        tpu.vector_store %arg6[%swap3A_119, %swap3A_120], %swap3A_123 {strides = array<i32>} : memref<128x192xf32, #tpu.memory_space<vmem>>, vector<1x16xf32>,
        %get3A_124 = arith.index_cast %scan3A_89 : i32 to index
        %get3A_125 = arith.constant 64 : index
        %get3A_126 = tpu.vector_load %arg7[%get3A_124, %get3A_125] {strides = array<i32>} : memref<128x256xf32, #tpu.memory_space<vmem>>, vector<1x16xf32>,
        %get3A_127 = vector.shape_cast %get3A_126 : vector<1x16xf32> to vector<16xf32>
        %swap3A_128 = arith.index_cast %scan3A_89 : i32 to index
        %swap3A_129 = arith.constant 64 : index
        %swap3A_130 = tpu.vector_load %arg6[%swap3A_128, %swap3A_129] {strides = array<i32>} : memref<128x192xf32, #tpu.memory_space<vmem>>, vector<1x16xf32>,
        %swap3A_131 = vector.shape_cast %swap3A_130 : vector<1x16xf32> to vector<16xf32>
        %swap3A_132 = vector.shape_cast %get3A_127 : vector<16xf32> to vector<1x16xf32>
        tpu.vector_store %arg6[%swap3A_128, %swap3A_129], %swap3A_132 {strides = array<i32>} : memref<128x192xf32, #tpu.memory_space<vmem>>, vector<1x16xf32>,
        %get3A_133 = arith.index_cast %scan3A_89 : i32 to index
        %get3A_134 = arith.constant 80 : index
        %get3A_135 = tpu.vector_load %arg7[%get3A_133, %get3A_134] {strides = array<i32>} : memref<128x256xf32, #tpu.memory_space<vmem>>, vector<1x16xf32>,
        %get3A_136 = vector.shape_cast %get3A_135 : vector<1x16xf32> to vector<16xf32>
        %swap3A_137 = arith.index_cast %scan3A_89 : i32 to index
        %swap3A_138 = arith.constant 80 : index
        %swap3A_139 = tpu.vector_load %arg6[%swap3A_137, %swap3A_138] {strides = array<i32>} : memref<128x192xf32, #tpu.memory_space<vmem>>, vector<1x16xf32>,
        %swap3A_140 = vector.shape_cast %swap3A_139 : vector<1x16xf32> to vector<16xf32>
        %swap3A_141 = vector.shape_cast %get3A_136 : vector<16xf32> to vector<1x16xf32>
        tpu.vector_store %arg6[%swap3A_137, %swap3A_138], %swap3A_141 {strides = array<i32>} : memref<128x192xf32, #tpu.memory_space<vmem>>, vector<1x16xf32>,
        %get3A_142 = arith.index_cast %scan3A_89 : i32 to index
        %get3A_143 = arith.constant 96 : index
        %get3A_144 = tpu.vector_load %arg7[%get3A_142, %get3A_143] {strides = array<i32>} : memref<128x256xf32, #tpu.memory_space<vmem>>, vector<1x16xf32>,
        %get3A_145 = vector.shape_cast %get3A_144 : vector<1x16xf32> to vector<16xf32>
        %swap3A_146 = arith.index_cast %scan3A_89 : i32 to index
        %swap3A_147 = arith.constant 96 : index
        %swap3A_148 = tpu.vector_load %arg6[%swap3A_146, %swap3A_147] {strides = array<i32>} : memref<128x192xf32, #tpu.memory_space<vmem>>, vector<1x16xf32>,
        %swap3A_149 = vector.shape_cast %swap3A_148 : vector<1x16xf32> to vector<16xf32>
        %swap3A_150 = vector.shape_cast %get3A_145 : vector<16xf32> to vector<1x16xf32>
        tpu.vector_store %arg6[%swap3A_146, %swap3A_147], %swap3A_150 {strides = array<i32>} : memref<128x192xf32, #tpu.memory_space<vmem>>, vector<1x16xf32>,
        %get3A_151 = arith.index_cast %scan3A_89 : i32 to index
        %get3A_152 = arith.constant 112 : index
        %get3A_153 = tpu.vector_load %arg7[%get3A_151, %get3A_152] {strides = array<i32>} : memref<128x256xf32, #tpu.memory_space<vmem>>, vector<1x16xf32>,
        %get3A_154 = vector.shape_cast %get3A_153 : vector<1x16xf32> to vector<16xf32>
        %swap3A_155 = arith.index_cast %scan3A_89 : i32 to index
        %swap3A_156 = arith.constant 112 : index
        %swap3A_157 = tpu.vector_load %arg6[%swap3A_155, %swap3A_156] {strides = array<i32>} : memref<128x192xf32, #tpu.memory_space<vmem>>, vector<1x16xf32>,
        %swap3A_158 = vector.shape_cast %swap3A_157 : vector<1x16xf32> to vector<16xf32>
        %swap3A_159 = vector.shape_cast %get3A_154 : vector<16xf32> to vector<1x16xf32>
        tpu.vector_store %arg6[%swap3A_155, %swap3A_156], %swap3A_159 {strides = array<i32>} : memref<128x192xf32, #tpu.memory_space<vmem>>, vector<1x16xf32>,
        %get3A_160 = arith.index_cast %scan3A_89 : i32 to index
        %get3A_161 = arith.constant 128 : index
        %get3A_162 = tpu.vector_load %arg7[%get3A_160, %get3A_161] {strides = array<i32>} : memref<128x256xf32, #tpu.memory_space<vmem>>, vector<1x16xf32>,
        %get3A_163 = vector.shape_cast %get3A_162 : vector<1x16xf32> to vector<16xf32>
        %swap3A_164 = arith.index_cast %scan3A_89 : i32 to index
        %swap3A_165 = arith.constant 128 : index
        %swap3A_166 = tpu.vector_load %arg6[%swap3A_164, %swap3A_165] {strides = array<i32>} : memref<128x192xf32, #tpu.memory_space<vmem>>, vector<1x16xf32>,
        %swap3A_167 = vector.shape_cast %swap3A_166 : vector<1x16xf32> to vector<16xf32>
        %swap3A_168 = vector.shape_cast %get3A_163 : vector<16xf32> to vector<1x16xf32>
        tpu.vector_store %arg6[%swap3A_164, %swap3A_165], %swap3A_168 {strides = array<i32>} : memref<128x192xf32, #tpu.memory_space<vmem>>, vector<1x16xf32>,
        %get3A_169 = arith.index_cast %scan3A_89 : i32 to index
        %get3A_170 = arith.constant 144 : index
        %get3A_171 = tpu.vector_load %arg7[%get3A_169, %get3A_170] {strides = array<i32>} : memref<128x256xf32, #tpu.memory_space<vmem>>, vector<1x16xf32>,
        %get3A_172 = vector.shape_cast %get3A_171 : vector<1x16xf32> to vector<16xf32>
        %swap3A_173 = arith.index_cast %scan3A_89 : i32 to index
        %swap3A_174 = arith.constant 144 : index
        %swap3A_175 = tpu.vector_load %arg6[%swap3A_173, %swap3A_174] {strides = array<i32>} : memref<128x192xf32, #tpu.memory_space<vmem>>, vector<1x16xf32>,
        %swap3A_176 = vector.shape_cast %swap3A_175 : vector<1x16xf32> to vector<16xf32>
        %swap3A_177 = vector.shape_cast %get3A_172 : vector<16xf32> to vector<1x16xf32>
        tpu.vector_store %arg6[%swap3A_173, %swap3A_174], %swap3A_177 {strides = array<i32>} : memref<128x192xf32, #tpu.memory_space<vmem>>, vector<1x16xf32>,
        %get3A_178 = arith.index_cast %scan3A_89 : i32 to index
        %get3A_179 = arith.constant 160 : index
        %get3A_180 = tpu.vector_load %arg7[%get3A_178, %get3A_179] {strides = array<i32>} : memref<128x256xf32, #tpu.memory_space<vmem>>, vector<1x16xf32>,
        %get3A_181 = vector.shape_cast %get3A_180 : vector<1x16xf32> to vector<16xf32>
        %swap3A_182 = arith.index_cast %scan3A_89 : i32 to index
        %swap3A_183 = arith.constant 160 : index
        %swap3A_184 = tpu.vector_load %arg6[%swap3A_182, %swap3A_183] {strides = array<i32>} : memref<128x192xf32, #tpu.memory_space<vmem>>, vector<1x16xf32>,
        %swap3A_185 = vector.shape_cast %swap3A_184 : vector<1x16xf32> to vector<16xf32>
        %swap3A_186 = vector.shape_cast %get3A_181 : vector<16xf32> to vector<1x16xf32>
        tpu.vector_store %arg6[%swap3A_182, %swap3A_183], %swap3A_186 {strides = array<i32>} : memref<128x192xf32, #tpu.memory_space<vmem>>, vector<1x16xf32>,
        %get3A_187 = arith.index_cast %scan3A_89 : i32 to index
        %get3A_188 = arith.constant 176 : index
        %get3A_189 = tpu.vector_load %arg7[%get3A_187, %get3A_188] {strides = array<i32>} : memref<128x256xf32, #tpu.memory_space<vmem>>, vector<1x16xf32>,
        %get3A_190 = vector.shape_cast %get3A_189 : vector<1x16xf32> to vector<16xf32>
        %swap3A_191 = arith.index_cast %scan3A_89 : i32 to index
        %swap3A_192 = arith.constant 176 : index
        %swap3A_193 = tpu.vector_load %arg6[%swap3A_191, %swap3A_192] {strides = array<i32>} : memref<128x192xf32, #tpu.memory_space<vmem>>, vector<1x16xf32>,
        %swap3A_194 = vector.shape_cast %swap3A_193 : vector<1x16xf32> to vector<16xf32>
        %swap3A_195 = vector.shape_cast %get3A_190 : vector<16xf32> to vector<1x16xf32>
        tpu.vector_store %arg6[%swap3A_191, %swap3A_192], %swap3A_195 {strides = array<i32>} : memref<128x192xf32, #tpu.memory_space<vmem>>, vector<1x16xf32>,
      }
      %scan3A_64 = arith.constant 128 : i32
      %dma_start3A_65 = arith.constant 0 : i32
      %dma_start3A_66 = arith.constant 0 : i32
      %dma_start3A_67 = tpu.memref_slice %arg4[%add3A_31, %dma_start3A_65, %dma_start3A_66] : memref<128x1024x192xf32, #tpu.memory_space<hbm>> -> memref<1x1024x192xf32, #tpu.memory_space<hbm>>
      %dma_start3A_68 = tpu.memref_squeeze %dma_start3A_67 : memref<1x1024x192xf32, #tpu.memory_space<hbm>> -> memref<1024x192xf32, #tpu.memory_space<hbm>>
      %dma_start3A_69 = arith.constant 0 : i32
      %dma_start3A_70 = tpu.memref_slice %dma_start3A_68[%mul3A_47, %dma_start3A_69] : memref<1024x192xf32, #tpu.memory_space<hbm>> -> memref<128x192xf32, #tpu.memory_space<hbm>>
      %dma_start3A_71 = arith.constant 0 : i32
      %dma_start3A_72 = arith.constant 0 : i32
      %dma_start3A_73 = tpu.memref_slice %arg4[%add3A_31, %dma_start3A_71, %dma_start3A_72] : memref<128x1024x192xf32, #tpu.memory_space<hbm>> -> memref<1x1024x192xf32, #tpu.memory_space<hbm>>
      %dma_start3A_74 = tpu.memref_squeeze %dma_start3A_73 : memref<1x1024x192xf32, #tpu.memory_space<hbm>> -> memref<1024x192xf32, #tpu.memory_space<hbm>>
      %dma_start3A_75 = arith.constant 0 : i32
      %dma_start3A_76 = tpu.memref_slice %dma_start3A_74[%mul3A_47, %dma_start3A_75] : memref<1024x192xf32, #tpu.memory_space<hbm>> -> memref<128x192xf32, #tpu.memory_space<hbm>>
      tpu.enqueue_dma source(%arg6 : memref<128x192xf32, #tpu.memory_space<vmem>>) target(%dma_start3A_76 : memref<128x192xf32, #tpu.memory_space<hbm>>) target_semaphore(%arg10 : memref<!tpu.dma_semaphore, #tpu.memory_space<semaphore_mem>>)
      %dma_wait3A_77 = arith.constant 0 : i32
      %dma_wait3A_78 = arith.constant 0 : i32
      %dma_wait3A_79 = tpu.memref_slice %arg4[%add3A_31, %dma_wait3A_77, %dma_wait3A_78] : memref<128x1024x192xf32, #tpu.memory_space<hbm>> -> memref<1x1024x192xf32, #tpu.memory_space<hbm>>
      %dma_wait3A_80 = tpu.memref_squeeze %dma_wait3A_79 : memref<1x1024x192xf32, #tpu.memory_space<hbm>> -> memref<1024x192xf32, #tpu.memory_space<hbm>>
      %dma_wait3A_81 = arith.constant 0 : i32
      %dma_wait3A_82 = tpu.memref_slice %dma_wait3A_80[%mul3A_47, %dma_wait3A_81] : memref<1024x192xf32, #tpu.memory_space<hbm>> -> memref<128x192xf32, #tpu.memory_space<hbm>>
      %dma_wait3A_83 = arith.constant 0 : i32
      %dma_wait3A_84 = arith.constant 0 : i32
      %dma_wait3A_85 = tpu.memref_slice %arg4[%add3A_31, %dma_wait3A_83, %dma_wait3A_84] : memref<128x1024x192xf32, #tpu.memory_space<hbm>> -> memref<1x1024x192xf32, #tpu.memory_space<hbm>>
      %dma_wait3A_86 = tpu.memref_squeeze %dma_wait3A_85 : memref<1x1024x192xf32, #tpu.memory_space<hbm>> -> memref<1024x192xf32, #tpu.memory_space<hbm>>
      %dma_wait3A_87 = arith.constant 0 : i32
      %dma_wait3A_88 = tpu.memref_slice %dma_wait3A_86[%mul3A_47, %dma_wait3A_87] : memref<1024x192xf32, #tpu.memory_space<hbm>> -> memref<128x192xf32, #tpu.memory_space<hbm>>
      tpu.wait_dma2 semaphore(%arg10 : memref<!tpu.dma_semaphore, #tpu.memory_space<semaphore_mem>>) src(%arg6 : memref<128x192xf32, #tpu.memory_space<vmem>>) dst(%dma_wait3A_88 : memref<128x192xf32, #tpu.memory_space<hbm>>)
    }
    %scan3A_13 = arith.constant 32 : i32
    return
  }
}

</mosaic_0001>

<sc_bundles>
// kernel: kernel.3.cloned.1.call-start
scs
__scs_entry_jumppad:
0x0: {  	(pc) =	sbr.rel $0x88, $3  }
0x1: {  	(tag) =	ssettag $0x0;
	lr =	simm.s32 $0x1  }
0x2: {  	[smem:$0x3F9F] =	sst lr;
	_ =	strace $0xD0000000  }
0x3: {  	_ = 	snop  }
0x4: {  	_ = 	snop  }
0x5: {  	_ = 	snop  }
0x6: {  	_ = 	snop  }
0x7: {  	_ = 	snop  }
__scs_overlays_trampoline_lowered:
0x8: {  	[smem:$0x3FAE] =	sst s0  }
0x9: {  	[smem:$0x3FAF] =	sst s1  }
0xa: {  	[smem:$0x3FB0] =	sst s2  }
0xb: {  	[smem:$0x3FB1] =	sst s3  }
0xc: {  	[smem:$0x3FB2] =	sst s4  }
0xd: {  	[smem:$0x3FB3] =	sst s5  }
0xe: {  	[smem:$0x3FB4] =	sst s6  }
0xf: {  	[smem:$0x3FB5] =	sst s7  }
0x10: {  	[smem:$0x3FB6] =	sst s8  }
0x11: {  	[smem:$0x3FB7] =	sst s9;
	s0 =	simm.s32 @!p0 $0x0  }
0x12: {  	s1 =	sld [smem:$0x3F9D];
	s0 =	simm.s32 @p0 $0x1  }
0x13: {  	[smem:$0x3FB8] =	sst s0;
	s0 =	simm.s32 @!p1 $0x0  }
0x14: {  	s2 =	sld [smem:$0x3F9C];
	s0 =	simm.s32 @p1 $0x1  }
0x15: {  	[smem:$0x3FB9] =	sst s0;
	s0 =	simm.s32 @!p2 $0x0  }
0x16: {  	s3 =	sld [smem:$0x3FDB];
	s0 =	simm.s32 @p2 $0x1  }
0x17: {  	s4 =	simm.s32 $0x1BF5;
	[smem:$0x3FBB] =	sst s0  }
0x18: {  	s0 =	sld [smem:$0x3F9E];
	_ =	swait.ge [sflag:s4], $0x0  }
0x19: {  	s7 =	sld [smem:$0x3F9F]  }
0x1a: {  	s8 =	sadd.s32 $0xFFFFE003, lr  }
0x1b: {  	s9 =	sadd.s32 $0xFFFFFEF7, lr;
	s5 =	simm.s32 $0xFFFFFFFF;
	p2 =	slt.u32 s8, $0xFFFFF086  }
0x1c: {  	p1 =	slt.u32 s9, $0xF7A;
	s5 =	simm.s32 @!p2 $0x0  }
0x1d: {  	s5 =	simm.s32 @p1 $0x1;
	p0 =	seq.s32 s7, s2  }
0x1e: {  	s7 =	smul.u32 @!p0 $0xF7A, s2;
	p2 =	seq.s32 @!p0 s5, $0x0  }
0x1f: {  	s9 =	smul.u32 $0xF7A, s1;
	s8 =	simm.s32 @!p0 $0x1BF5;
	p2 =	por !p2, p0  }
0x20: {  	[sflag:s8] =	ssyncset.s32 @!p0 $0xFFFFF086;
	s6 =	sadd.s32 @!p0 s3, s7;
	s7 =	simm.s32 @!p0 $0x108  }
0x21: {  	s3 =	sadd.s32 s3, s9;
	s6 =	sadd.s32 @!p0 $0x88, s6;
	s7 =	simm.s32 @p2 $0x1082  }
0x22: {  	[simem:s7], [sflag:s8] =	dma.local @!p0 [hbm:s6], $0xF7A  }
0x23: {  	s9 =	sor.u32 $0xD0000000, s2;
	s6 =	simm.s32 $0x108;
	_ =	swait.ge @!p0 [sflag:s8], $0x0  }
0x24: {  	s3 =	sadd.s32 $0x88, s3;
	s6 =	simm.s32 @!p1 $0x1082;
	[sflag:s4] =	ssyncset.s32 $0xFFFFF086  }
0x25: {  	[simem:s6], [sflag:s4] =	dma.local [hbm:s3], $0xF7A  }
0x26: {  	[smem:$0x3F9F] =	sst s1;
	(tag) =	ssettag s2;
	_ =	strace s9  }
0x27: {  	s1 =	sld [smem:$0x3FAF]  }
0x28: {  	s2 =	sld [smem:$0x3FB0]  }
0x29: {  	s4 =	sld [smem:$0x3FB2]  }
0x2a: {  	p0 =	seq.s32 s5, $0x0;
	s5 =	sld [smem:$0x3FB3]  }
0x2b: {  	s6 =	sld [smem:$0x3FB4]  }
0x2c: {  	s7 =	sld [smem:$0x3FB5]  }
0x2d: {  	s3 =	simm.s32 $0x108;
	s8 =	sld [smem:$0x3FB6]  }
0x2e: {  	s3 =	simm.s32 @!p0 $0x1082;
	s9 =	sld [smem:$0x3FB7]  }
0x2f: {  	lr =	sadd.s32 s0, s3;
	s0 =	sld [smem:$0x3FAE]  }
0x30: {  	s3 =	sld [smem:$0x3FB1]  }
0x31: {  	[smem:$0x3FBA] =	sst s10  }
0x32: {  	s10 =	sld [smem:$0x3FB8];
	_ =	sdelay $0x3  }
0x33: {  	p0 =	seq.s32 s10, $0x1;
	s10 =	sld [smem:$0x3FBA];
	_ =	sdelay $0x3  }
0x34: {  	[smem:$0x3FBA] =	sst s10  }
0x35: {  	s10 =	sld [smem:$0x3FB9];
	_ =	sdelay $0x3  }
0x36: {  	p1 =	seq.s32 s10, $0x1;
	s10 =	sld [smem:$0x3FBA];
	_ =	sdelay $0x3  }
0x37: {  	[smem:$0x3FBA] =	sst s10  }
0x38: {  	s10 =	sld [smem:$0x3FBB]  }
0x39: {  	_ = 	snop;
	(pc) =	sbr.ind lr, $3  }
0x3a: {  	_ = 	snop  }
0x3b: {  	_ = 	snop  }
0x3c: {  	p2 =	seq.s32 s10, $0x1;
	s10 =	sld [smem:$0x3FBA]  }
0x3d: {  	_ =	shalt  }
0x3e: {  	_ =	shalt  }
0x3f: {  	_ =	shalt  }
0x40: {  	_ =	shalt  }
0x41: {  	_ =	shalt  }
0x42: {  	_ =	shalt  }
0x43: {  	_ =	shalt  }
0x44: {  	_ =	shalt  }
0x45: {  	_ =	shalt  }
0x46: {  	_ =	shalt  }
0x47: {  	_ =	shalt  }
0x48: {  	_ =	shalt  }
0x49: {  	_ =	shalt  }
0x4a: {  	_ =	shalt  }
0x4b: {  	_ =	shalt  }
0x4c: {  	_ =	shalt  }
0x4d: {  	_ =	shalt  }
0x4e: {  	_ =	shalt  }
0x4f: {  	_ =	shalt  }
0x50: {  	_ =	shalt  }
0x51: {  	_ =	shalt  }
0x52: {  	_ =	shalt  }
0x53: {  	_ =	shalt  }
0x54: {  	_ =	shalt  }
0x55: {  	_ =	shalt  }
0x56: {  	_ =	shalt  }
0x57: {  	_ =	shalt  }
0x58: {  	_ =	shalt  }
0x59: {  	_ =	shalt  }
0x5a: {  	_ =	shalt  }
0x5b: {  	_ =	shalt  }
0x5c: {  	_ =	shalt  }
0x5d: {  	_ =	shalt  }
0x5e: {  	_ =	shalt  }
0x5f: {  	_ =	shalt  }
0x60: {  	_ =	shalt  }
0x61: {  	_ =	shalt  }
0x62: {  	_ =	shalt  }
0x63: {  	_ =	shalt  }
0x64: {  	_ =	shalt  }
0x65: {  	_ =	shalt  }
0x66: {  	_ =	shalt  }
0x67: {  	_ =	shalt  }
0x68: {  	_ =	shalt  }
0x69: {  	_ =	shalt  }
0x6a: {  	_ =	shalt  }
0x6b: {  	_ =	shalt  }
0x6c: {  	_ =	shalt  }
0x6d: {  	_ =	shalt  }
0x6e: {  	_ =	shalt  }
0x6f: {  	_ =	shalt  }
0x70: {  	_ =	shalt  }
0x71: {  	_ =	shalt  }
0x72: {  	_ =	shalt  }
0x73: {  	_ =	shalt  }
0x74: {  	_ =	shalt  }
0x75: {  	_ =	shalt  }
0x76: {  	_ =	shalt  }
0x77: {  	_ =	shalt  }
0x78: {  	_ =	shalt  }
0x79: {  	_ =	shalt  }
0x7a: {  	_ =	shalt  }
0x7b: {  	_ =	shalt  }
0x7c: {  	_ =	shalt  }
0x7d: {  	_ =	shalt  }
0x7e: {  	_ =	shalt  }
0x7f: {  	_ =	shalt  }
0x80: {  	_ =	shalt  }
0x81: {  	_ =	shalt  }
0x82: {  	_ =	shalt  }
0x83: {  	_ =	shalt  }
0x84: {  	_ =	shalt  }
0x85: {  	_ =	shalt  }
0x86: {  	_ =	shalt  }
0x87: {  	_ =	shalt  }
.Lfunc_end0:
.L_simem_size_0:
called_computation_lowered:
.L_overlay_start_0:
0x88: {  	s2 =	sld [smem:$0x3FD9]  }
0x89: {  	s3 =	sld [smem:$0x3FFE];
	_ =	sdelay $0x1  }
0x8a: {  	s1 =	srdreg.scid  }
0x8b: {  	s0 =	sand.u32 $0x1, s1  }
0x8c: {  	s17 =	sshll.u32 s0, $0xA;
	s2 =	sadd.s32 s3, s2  }
0x8d: {  	s2 =	sadd.s32 s2, s17  }
0x8e: {  	[smem:$0x3FC6] =	sst s2  }
0x8f: {  	_ = 	snop  }
0x90: {  	s2 =	sld [smem:$0x3FD0];
	(tm) =	ssettm $0x1  }
0x91: {  	s18 =	sld [smem:$0x3FFB];
	_ =	sdelay $0x3  }
0x92: {  	_ =	strace s18  }
0x93: {  	s3 =	sld [smem:$0x3FFC];
	_ =	sdelay $0x3  }
0x94: {  	_ =	strace s3  }
0x95: {  	s3 =	sld [smem:$0x3FFD];
	_ =	sdelay $0x3  }
0x96: {  	_ =	strace s3  }
0x97: {  	_ =	strace $0x8FFFFFFF  }
0x98: {  	s19 =	sld [smem:$0x3FDB];
	_ =	sdelay $0x1  }
0x99: {  	s4 =	simm.s32 $_scs_section_size  }
0x9a: {  	s5 =	simm.s32 $_size__tile_overlayer_lowered;
	s6 =	simm.s32 $_tile_overlayer_lowered  }
0x9b: {  	s22 =	simm.s32 $0x1BFF;
	s21 =	sshll.u32 s6, $0x1;
	s3 =	sadd.s32 s4, s19  }
0x9c: {  	s7 =	simm.s32 $0x0;
	s20 =	sshll.u32 s5, $0x1;
	s5 =	sadd.s32 s21, s3  }
0x9d: {  	[timem:s7], [sflag:s22] =	dma.local [hbm:s5], s20  }
0x9e: {  	_ =	swait.ge [sflag:s22], s20  }
0x9f: {  	s4 =	ssub.s32 $0x0, s20;
	[sflag:s22] =	ssyncset.done $0x0  }
0xa0: {  	[sflag:s22] =	ssyncadd.s32 s4;
	_ =	sdelay $0x1  }
0xa1: {  	s23 =	simm.s32 $0x1B8B  }
0xa2: {  	_ =	swait.ge [sflag:s23], $0x1  }
0xa3: {  	[sflag:s23] =	ssyncset.done $0x0  }
0xa4: {  	s25 =	simm.s32 $0x1B8E;
	s24 =	sld [smem:$0x3FFE];
	[sflag:s23] =	ssyncadd.s32 $0xFFFFFFFF  }
0xa5: {  	s26 =	simm.s32 $execute0_lowered;
	[smem:$0x3FD2] =	sst s25  }
0xa6: {  	s5 =	sshll.u32 s26, $0x1;
	_ =	strace $0x80000046;
	[dreg:$0x1] =	wrdreg $0xFFFFFFFF  }
0xa7: {  	s28 =	simm.s32 $_size_execute0_lowered;
	s3 =	sadd.s32 s3, s5;
	[dreg:$0x0] =	wrdreg $0x0  }
0xa8: {  	s5 =	sshll.u32 s28, $0x1;
	[dreg:$0x2] =	wrdreg s3  }
0xa9: {  	[dreg:$0x3] =	wrdreg s5  }
0xaa: {  	[dreg:$0x4] =	wrdreg $0xC0  }
0xab: {  	_ =	task [dreg:s7], $0x5FFFF  }
0xac: {  	[dreg:$0x1] =	wrdreg $0xFFFFFFFF  }
0xad: {  	[dreg:$0x0] =	wrdreg $0x60  }
0xae: {  	[dreg:$0x2] =	wrdreg s24  }
0xaf: {  	[dreg:$0x3] =	wrdreg s2  }
0xb0: {  	[dreg:$0x4] =	wrdreg $0x9  }
0xb1: {  	_ =	task.clear_ibuf [dreg:s7], $0x5FFFF;
	_ =	strace $0x90000046  }
0xb2: {  	s29 =	simm.s32 $0x9;
	_ =	strace $0x80000048  }
0xb3: {  	_ =	swait.ge [sflag:s29], $0x1  }
0xb4: {  	[sflag:s29] =	ssyncadd.s32 $0xFFFFFFFF  }
0xb5: {  	_ =	strace $0x90000048  }
0xb6: {  	_ =	sfence  }
0xb7: {  	s30 =	sld [smem:$0x0];
	_ =	sdelay $0x2  }
0xb8: {  	s31 =	sshll.u32 s1, $0xD;
	s1 =	sshrl.u32 s1, $0x2  }
0xb9: {  	s3 =	sand.u32 $0x4000, s31;
	s1 =	sadd.s32 s1, s30  }
0xba: {  	s0 =	sor.u32 s3, s0;
	s1 =	sshll.u32 s1, $0x11  }
0xbb: {  	s0 =	sor.u32 s1, s0  }
0xbc: {  	s0 =	sadd.s32 $0x8F2B, s0  }
0xbd: {  	[sflag:s0] =	ssyncadd.remote.s32 $0x1  }
0xbe: {  	_ =	sfence.sel $0xFFFF  }
0xbf: {  	[dreg:$0x0] =	wrdreg $0xFFFFFFFF;
	(pc) =	sbr.abs _section_cstart, $3  }
0xc0: {  	[dreg:$0x1] =	wrdreg $0xFFFFFFFF  }
0xc1: {  	_ =	task.clear_ibuf [dreg:s7], $0x2FFFF;
	_ =	strace $0x9FFFFFFF  }
0xc2: {  	(tm) =	ssettm $0x7FFFFFFF  }
0xc3: {  	_ =	shalt  }
tec
execute0_lowered:
.L_overlay_start_1:
0x0: {  	(tag) =	ssettag $0x1  }
0x1: {  	s0 =	rddreg [dreg:$0x0];
	s2 =	simm.s32 $0x0;
	s1 =	srdreg.scid  }
0x2: {  	s6 =	stileid.u32;
	s9 =	simm.s32 $0x1;
	s10 =	simm.s32 $0x8000  }
0x3: {  	s11 =	simm.s32 $0x2;
	s14 =	simm.s32 $0x9000;
	s15 =	simm.s32 $0x9800  }
0x4: {  	s16 =	simm.s32 $0xA000;
	s17 =	simm.s32 $0xA800;
	s18 =	simm.s32 $0xB000  }
0x5: {  	s19 =	simm.s32 $0xB800;
	s20 =	simm.s32 $0xC000;
	s21 =	simm.s32 $0xC800  }
0x6: {  	s22 =	simm.s32 $0xD000;
	s23 =	simm.s32 $0xD800;
	s24 =	simm.s32 $0xE000  }
0x7: {  	s25 =	simm.s32 $0xE800;
	s26 =	simm.s32 $0xF000;
	s1 =	sand.u32 $0x1, s1  }
0x8: {  	s28 =	simm.s32 $0xF800;
	[smem:$0x7FF] =	sst s2;
	s3 =	ssub.s32 $0x2, s1  }
0x9: {  	s4 =	sadd.s32 $0x800, s0;
	s5 =	sadd.s32 $0x800800, s0;
	s7 =	sshrl.u32 s3, $0x1  }
0xa: {  	v2 =	vlaneseq.u32;
	s8 =	sshll.u32 s6, $0x2;
	s6 =	sadd.s32 $0x400800, s0;
	s31 =	ssub.s32 s3, s7  }
0xb: {  	vm0 =	vmmov $0xffff;
	v1 =	vshrl.u32 v2, $0x3;
	_ =	strace $0x80000047;
	s1 =	sshll.u32 s1, $0x6;
	s0 =	smax.u32 s31, $0x1  }
0xc: {  	v0 =	vand.u32 $0x7, v2;
	v2 =	vor.u32 $0x8, v2;
	v1 =	vmul.u32 $0x8, v1;
	s7 =	sor.u32 s8, s1;
	s1 =	simm.s32 $0x0;
	[dreg:$0x3] =	wrdreg s0  }
.LBB2_1:
0xd: {  	[dreg:$0x4] =	wrdreg s1;
	s0 =	simm.s32 $0x0  }
.LBB2_2:
0xe: {  	s1 =	sshrl.u32 s0, $0x3  }
0xf: {  	s1 =	sor.u32 s7, s1  }
0x10: {  	s8 =	sshll.u32 s0, $0xC;
	s3 =	sshll.u32 s1, $0xF  }
0x11: {  	s30 =	sand.u32 $0x7000, s8;
	s1 =	sadd.s32 s4, s3  }
0x12: {  	s13 =	simm.s32 $0x0;
	s1 =	sadd.s32 s30, s1  }
0x13: {  	[tilespmem:s13], [sflag:$0x1] =	stream.linear.gather [hbm4b:s1+s13], $0x8000, $0x38;
	[tilespmem:$0x10080] =	vst v63  }
0x14: {  	_ =	swait.ge [sflag:s9], $0x8000  }
0x15: {  	s12 =	sand.u32 $0x7800, s13;
	s8 =	sand.u32 $0x380, s13;
	[sflag:s9] =	ssyncset.done $0x0  }
0x16: {  	s31 =	sor.u32 s8, s12;
	[sflag:s9] =	ssyncadd.s32 $0xFFFF8000  }
0x17: {  	v3 =	vld [tilespmem:s31+$0x430]  }
0x18: {  	v4 =	vld [tilespmem:s31+$0x0]  }
0x19: {  	v5 =	vld [tilespmem:s31+$0x10]  }
0x1a: {  	v7 =	vld [tilespmem:s31+$0x20]  }
0x1b: {  	v8 =	vld [tilespmem:s31+$0x30]  }
0x1c: {  	v9 =	vld [tilespmem:s31+$0x40];
	[tilespmem:s31+$0x8430] =	vst v3  }
0x1d: {  	v6 =	vld [tilespmem:s31+$0x50];
	[tilespmem:s31+$0x8000] =	vst v4  }
0x1e: {  	[tilespmem:s31+$0x8010] =	vst v5;
	v3 =	vld [tilespmem:s31+$0x60]  }
0x1f: {  	[tilespmem:s31+$0x8020] =	vst v7;
	v4 =	vld [tilespmem:s31+$0x70]  }
0x20: {  	s8 =	simm.s32 $0x80;
	s13 =	simm.s32 $0x100;
	[tilespmem:s31+$0x8030] =	vst v8;
	v5 =	vld [tilespmem:s31+$0x400]  }
0x21: {  	s29 =	simm.s32 $0x200;
	s12 =	sand.u32 $0x380, s8;
	s1 =	sand.u32 $0x7800, s13;
	[tilespmem:s31+$0x8040] =	vst v9;
	v7 =	vld [tilespmem:s31+$0x410]  }
.LBB2_3:
0x22: {  	p0 =	sne.s32 s29, $0x7F00;
	s1 =	sor.u32 s12, s1;
	[tilespmem:s31+$0x8050] =	vst v6;
	v6 =	vld [tilespmem:s31+$0x420]  }
0x23: {  	v8 =	vld [tilespmem:s1+$0x430];
	[tilespmem:s31+$0x8060] =	vst v3  }
0x24: {  	v3 =	vld [tilespmem:s1+$0x0];
	[tilespmem:s31+$0x8070] =	vst v4  }
0x25: {  	v4 =	vld [tilespmem:s1+$0x10];
	[tilespmem:s31+$0x8400] =	vst v5  }
0x26: {  	v5 =	vld [tilespmem:s1+$0x20];
	[tilespmem:s31+$0x8410] =	vst v7  }
0x27: {  	v7 =	vld [tilespmem:s1+$0x30];
	[tilespmem:s31+$0x8420] =	vst v6;
	s31 =	smov.u32 s1  }
0x28: {  	v9 =	vld [tilespmem:s31+$0x40];
	[tilespmem:s31+$0x8430] =	vst v8  }
.Ltmp0:
0x29: {  	[tilespmem:s31+$0x8000] =	vst v3;
	v6 =	vld [tilespmem:s31+$0x50];
	(pc) =	sbr.rel @p0 .LBB2_3-.Ltmp0, $4  }
0x2a: {  	[tilespmem:s31+$0x8010] =	vst v4;
	v3 =	vld [tilespmem:s31+$0x60]  }
0x2b: {  	[tilespmem:s31+$0x8020] =	vst v5;
	v4 =	vld [tilespmem:s31+$0x70]  }
0x2c: {  	s8 =	sadd.s32 $0x80, s8;
	[tilespmem:s31+$0x8030] =	vst v7;
	v5 =	vld [tilespmem:s31+$0x400]  }
0x2d: {  	s12 =	sand.u32 $0x380, s8;
	s1 =	sand.u32 $0x7800, s29;
	s29 =	sadd.s32 $0x100, s29;
	[tilespmem:s31+$0x8040] =	vst v9;
	v7 =	vld [tilespmem:s31+$0x410]  }
0x2e: {  	[tilespmem:s31+$0x8050] =	vst v6;
	s1 =	sor.u32 s12, s1;
	v59 =	vld [tilespmem:s31+$0x420]  }
0x2f: {  	v8 =	vld [tilespmem:s1+$0x430];
	[tilespmem:s31+$0x8060] =	vst v3  }
0x30: {  	v3 =	vld [tilespmem:s1+$0x0];
	[tilespmem:s31+$0x8070] =	vst v4  }
0x31: {  	v4 =	vld [tilespmem:s1+$0x10];
	[tilespmem:s31+$0x8400] =	vst v5  }
0x32: {  	v5 =	vld [tilespmem:s1+$0x20];
	[tilespmem:s31+$0x8410] =	vst v7  }
0x33: {  	v7 =	vld [tilespmem:s1+$0x30];
	[tilespmem:s31+$0x8420] =	vst v59  }
0x34: {  	v6 =	vld [tilespmem:s1+$0x40];
	[tilespmem:s1+$0x8430] =	vst v8  }
0x35: {  	[tilespmem:s1+$0x8000] =	vst v3;
	v3 =	vld [tilespmem:s1+$0x50]  }
0x36: {  	v60 =	vld [tilespmem:s1+$0x60];
	[tilespmem:s1+$0x8010] =	vst v4  }
0x37: {  	v61 =	vld [tilespmem:s1+$0x70];
	[tilespmem:s1+$0x8020] =	vst v5  }
0x38: {  	v62 =	vld [tilespmem:s1+$0x400];
	[tilespmem:s1+$0x8030] =	vst v7  }
0x39: {  	v63 =	vld [tilespmem:s1+$0x410];
	[tilespmem:s1+$0x8040] =	vst v6  }
0x3a: {  	[tilespmem:s1+$0x8050] =	vst v3;
	v3 =	vld [tilespmem:s1+$0x420]  }
0x3b: {  	[tilespmem:s1+$0x8060] =	vst v60  }
0x3c: {  	[tilespmem:s1+$0x8070] =	vst v61  }
0x3d: {  	s0 =	sadd.s32 $0x1, s0;
	[tilespmem:s1+$0x8400] =	vst v62  }
0x3e: {  	s8 =	sadd.s32 s6, s30;
	p0 =	sne.s32 s0, $0x20;
	[tilespmem:s1+$0x8410] =	vst v63  }
.Ltmp1:
0x3f: {  	s31 =	sadd.s32 s3, s8;
	[tilespmem:s1+$0x8420] =	vst v3;
	(pc) =	sbr.rel @p0 .LBB2_2-.Ltmp1, $4  }
0x40: {  	[hbm4b:s31+s2] =	stream.linear.scatter [tilespmem:s10], [sflag:$0x2], $0x8000, $0x38;
	[tilespmem:$0x10080] =	vst v63  }
0x41: {  	_ =	swait.ge [sflag:s11], $0x8000  }
0x42: {  	[sflag:s11] =	ssyncset.done $0x0  }
0x43: {  	[sflag:s11] =	ssyncadd.s32 $0xFFFF8000  }
0x44: {  	[bflag:$0x0] =	sbarrier.arrive $0xFFFF;
	s30 =	simm.s32 $0x0;
	s31 =	simm.s32 $0x0  }
.LBB2_6:
0x45: {  	s0 =	sshrl.u32 s31, $0x3  }
0x46: {  	s8 =	sshll.u32 s31, $0x7;
	s3 =	sor.u32 s7, s0  }
0x47: {  	s0 =	sand.u32 $0x380, s8;
	s1 =	sshll.u32 s3, $0xA  }
0x48: {  	s1 =	sor.u32 s0, s1  }
0x49: {  	s8 =	rddreg [dreg:$0x1];
	s1 =	sshrl.u32 s1, $0x3  }
0x4a: {  	s12 =	simm.s32 $0x10000;
	s1 =	sadd.s32 s8, s1  }
0x4b: {  	[tilespmem:s12], [sflag:$0x1] =	stream.linear.gather [hbm4b:s1+s30], $0x80, $0x38;
	[tilespmem:$0x10080] =	vst v63  }
0x4c: {  	_ =	swait.ge [sflag:s9], $0x80  }
0x4d: {  	[sflag:s9] =	ssyncset.done $0x0  }
0x4e: {  	[sflag:s9] =	ssyncadd.s32 $0xFFFFFF80  }
0x4f: {  	v3 =	vld [tilespmem:$0x10000];
	_ =	sdelay $0x4  }
0x50: {  	v4 =	vshll.u32 v3, $0x1  }
0x51: {  	v3 =	vand.u32 $0x7, v3;
	v4 =	vand.u32 $0xFFFFFFF0, v4  }
0x52: {  	v3 =	vor.u32 v3, v4  }
0x53: {  	v4 =	vperm.xlane v3, v0;
	_ =	sdelay $0x1  }
0x54: {  	v3 =	vperm.xlane v3, v2;
	v4 =	vadd.s32 v1, v4;
	_ =	sdelay $0x1  }
0x55: {  	v3 =	vadd.s32 v1, v3;
	_ =	sdelay $0x2  }
0x56: {  	[tilespmem:s10], [sflag:$0x1] =	stream.indirect_vreg.gather [hbm4b:s6+s30], $0x80, v4, vm0, $0xb8;
	[tilespmem:$0x10080] =	vst v63  }
0x57: {  	s13 =	simm.s32 $0x8800  }
0x58: {  	[tilespmem:s13], [sflag:$0x1] =	stream.indirect_vreg.gather [hbm4b:s6+s30], $0x80, v3, vm0, $0xb8;
	[tilespmem:$0x10080] =	vst v63  }
0x59: {  	v3 =	vld [tilespmem:$0x10010];
	_ =	sdelay $0x4  }
0x5a: {  	v4 =	vshll.u32 v3, $0x1  }
0x5b: {  	v3 =	vand.u32 $0x7, v3;
	v4 =	vand.u32 $0xFFFFFFF0, v4  }
0x5c: {  	v3 =	vor.u32 v3, v4  }
0x5d: {  	v4 =	vperm.xlane v3, v0;
	_ =	sdelay $0x1  }
0x5e: {  	v3 =	vperm.xlane v3, v2;
	v4 =	vadd.s32 v1, v4;
	_ =	sdelay $0x1  }
0x5f: {  	v3 =	vadd.s32 v1, v3;
	_ =	sdelay $0x2  }
0x60: {  	[tilespmem:s14], [sflag:$0x1] =	stream.indirect_vreg.gather [hbm4b:s6+s30], $0x80, v4, vm0, $0xb8;
	[tilespmem:$0x10080] =	vst v63  }
0x61: {  	_ = 	snop  }
0x62: {  	[tilespmem:s15], [sflag:$0x1] =	stream.indirect_vreg.gather [hbm4b:s6+s30], $0x80, v3, vm0, $0xb8;
	[tilespmem:$0x10080] =	vst v63  }
0x63: {  	v3 =	vld [tilespmem:$0x10020];
	_ =	sdelay $0x4  }
0x64: {  	v4 =	vshll.u32 v3, $0x1  }
0x65: {  	v3 =	vand.u32 $0x7, v3;
	v4 =	vand.u32 $0xFFFFFFF0, v4  }
0x66: {  	v3 =	vor.u32 v3, v4  }
0x67: {  	v4 =	vperm.xlane v3, v0;
	_ =	sdelay $0x1  }
0x68: {  	v3 =	vperm.xlane v3, v2;
	v4 =	vadd.s32 v1, v4;
	_ =	sdelay $0x1  }
0x69: {  	v3 =	vadd.s32 v1, v3;
	_ =	sdelay $0x2  }
0x6a: {  	[tilespmem:s16], [sflag:$0x1] =	stream.indirect_vreg.gather [hbm4b:s6+s30], $0x80, v4, vm0, $0xb8;
	[tilespmem:$0x10080] =	vst v63  }
0x6b: {  	_ = 	snop  }
0x6c: {  	[tilespmem:s17], [sflag:$0x1] =	stream.indirect_vreg.gather [hbm4b:s6+s30], $0x80, v3, vm0, $0xb8;
	[tilespmem:$0x10080] =	vst v63  }
0x6d: {  	v3 =	vld [tilespmem:$0x10030];
	_ =	sdelay $0x4  }
0x6e: {  	v4 =	vshll.u32 v3, $0x1  }
0x6f: {  	v3 =	vand.u32 $0x7, v3;
	v4 =	vand.u32 $0xFFFFFFF0, v4  }
0x70: {  	v3 =	vor.u32 v3, v4  }
0x71: {  	v4 =	vperm.xlane v3, v0;
	_ =	sdelay $0x1  }
0x72: {  	v3 =	vperm.xlane v3, v2;
	v4 =	vadd.s32 v1, v4;
	_ =	sdelay $0x1  }
0x73: {  	v3 =	vadd.s32 v1, v3;
	_ =	sdelay $0x2  }
0x74: {  	[tilespmem:s18], [sflag:$0x1] =	stream.indirect_vreg.gather [hbm4b:s6+s30], $0x80, v4, vm0, $0xb8;
	[tilespmem:$0x10080] =	vst v63  }
0x75: {  	_ = 	snop  }
0x76: {  	[tilespmem:s19], [sflag:$0x1] =	stream.indirect_vreg.gather [hbm4b:s6+s30], $0x80, v3, vm0, $0xb8;
	[tilespmem:$0x10080] =	vst v63  }
0x77: {  	v3 =	vld [tilespmem:$0x10040];
	_ =	sdelay $0x4  }
0x78: {  	v4 =	vshll.u32 v3, $0x1  }
0x79: {  	v3 =	vand.u32 $0x7, v3;
	v4 =	vand.u32 $0xFFFFFFF0, v4  }
0x7a: {  	v3 =	vor.u32 v3, v4  }
0x7b: {  	v4 =	vperm.xlane v3, v0;
	_ =	sdelay $0x1  }
0x7c: {  	v3 =	vperm.xlane v3, v2;
	v4 =	vadd.s32 v1, v4;
	_ =	sdelay $0x1  }
0x7d: {  	v3 =	vadd.s32 v1, v3;
	_ =	sdelay $0x2  }
0x7e: {  	[tilespmem:s20], [sflag:$0x1] =	stream.indirect_vreg.gather [hbm4b:s6+s30], $0x80, v4, vm0, $0xb8;
	[tilespmem:$0x10080] =	vst v63  }
0x7f: {  	_ = 	snop  }
0x80: {  	[tilespmem:s21], [sflag:$0x1] =	stream.indirect_vreg.gather [hbm4b:s6+s30], $0x80, v3, vm0, $0xb8;
	[tilespmem:$0x10080] =	vst v63  }
0x81: {  	v3 =	vld [tilespmem:$0x10050];
	_ =	sdelay $0x4  }
0x82: {  	v4 =	vshll.u32 v3, $0x1  }
0x83: {  	v3 =	vand.u32 $0x7, v3;
	v4 =	vand.u32 $0xFFFFFFF0, v4  }
0x84: {  	v3 =	vor.u32 v3, v4  }
0x85: {  	v4 =	vperm.xlane v3, v0;
	_ =	sdelay $0x1  }
0x86: {  	v3 =	vperm.xlane v3, v2;
	v4 =	vadd.s32 v1, v4;
	_ =	sdelay $0x1  }
0x87: {  	v3 =	vadd.s32 v1, v3;
	_ =	sdelay $0x2  }
0x88: {  	[tilespmem:s22], [sflag:$0x1] =	stream.indirect_vreg.gather [hbm4b:s6+s30], $0x80, v4, vm0, $0xb8;
	[tilespmem:$0x10080] =	vst v63  }
0x89: {  	_ = 	snop  }
0x8a: {  	[tilespmem:s23], [sflag:$0x1] =	stream.indirect_vreg.gather [hbm4b:s6+s30], $0x80, v3, vm0, $0xb8;
	[tilespmem:$0x10080] =	vst v63  }
0x8b: {  	v3 =	vld [tilespmem:$0x10060];
	_ =	sdelay $0x4  }
0x8c: {  	v4 =	vshll.u32 v3, $0x1  }
0x8d: {  	v3 =	vand.u32 $0x7, v3;
	v4 =	vand.u32 $0xFFFFFFF0, v4  }
0x8e: {  	v3 =	vor.u32 v3, v4  }
0x8f: {  	v4 =	vperm.xlane v3, v0;
	_ =	sdelay $0x1  }
0x90: {  	v3 =	vperm.xlane v3, v2;
	v4 =	vadd.s32 v1, v4;
	_ =	sdelay $0x1  }
0x91: {  	v3 =	vadd.s32 v1, v3;
	_ =	sdelay $0x2  }
0x92: {  	[tilespmem:s24], [sflag:$0x1] =	stream.indirect_vreg.gather [hbm4b:s6+s30], $0x80, v4, vm0, $0xb8;
	[tilespmem:$0x10080] =	vst v63  }
0x93: {  	_ = 	snop  }
0x94: {  	[tilespmem:s25], [sflag:$0x1] =	stream.indirect_vreg.gather [hbm4b:s6+s30], $0x80, v3, vm0, $0xb8;
	[tilespmem:$0x10080] =	vst v63  }
0x95: {  	v3 =	vld [tilespmem:$0x10070];
	_ =	sdelay $0x4  }
0x96: {  	v4 =	vshll.u32 v3, $0x1  }
0x97: {  	v3 =	vand.u32 $0x7, v3;
	v4 =	vand.u32 $0xFFFFFFF0, v4  }
0x98: {  	v3 =	vor.u32 v3, v4  }
0x99: {  	v4 =	vperm.xlane v3, v0;
	_ =	sdelay $0x1  }
0x9a: {  	v3 =	vperm.xlane v3, v2;
	v4 =	vadd.s32 v1, v4;
	_ =	sdelay $0x1  }
0x9b: {  	v3 =	vadd.s32 v1, v3;
	_ =	sdelay $0x2  }
0x9c: {  	[tilespmem:s26], [sflag:$0x1] =	stream.indirect_vreg.gather [hbm4b:s6+s30], $0x80, v4, vm0, $0xb8;
	[tilespmem:$0x10080] =	vst v63  }
0x9d: {  	_ = 	snop  }
0x9e: {  	[tilespmem:s28], [sflag:$0x1] =	stream.indirect_vreg.gather [hbm4b:s6+s30], $0x80, v3, vm0, $0xb8;
	[tilespmem:$0x10080] =	vst v63  }
0x9f: {  	_ =	swait.ge [sflag:s9], $0x8000  }
0xa0: {  	s8 =	sand.u32 $0x7800, s30;
	s12 =	sand.u32 $0x380, s30;
	[sflag:s9] =	ssyncset.done $0x0  }
0xa1: {  	s8 =	sor.u32 s12, s8;
	[sflag:s9] =	ssyncadd.s32 $0xFFFF8000  }
0xa2: {  	v3 =	vld [tilespmem:s8+$0x8430]  }
0xa3: {  	v4 =	vld [tilespmem:s8+$0x8000]  }
0xa4: {  	v5 =	vld [tilespmem:s8+$0x8010]  }
0xa5: {  	v7 =	vld [tilespmem:s8+$0x8020]  }
0xa6: {  	v8 =	vld [tilespmem:s8+$0x8030]  }
0xa7: {  	v9 =	vld [tilespmem:s8+$0x8040];
	[tilespmem:s8+$0x430] =	vst v3  }
0xa8: {  	v6 =	vld [tilespmem:s8+$0x8050];
	[tilespmem:s8+$0x0] =	vst v4  }
0xa9: {  	[tilespmem:s8+$0x10] =	vst v5;
	v3 =	vld [tilespmem:s8+$0x8060]  }
0xaa: {  	[tilespmem:s8+$0x20] =	vst v7;
	v4 =	vld [tilespmem:s8+$0x8070]  }
0xab: {  	s29 =	simm.s32 $0x80;
	s13 =	simm.s32 $0x100;
	[tilespmem:s8+$0x30] =	vst v8;
	v5 =	vld [tilespmem:s8+$0x8400]  }
0xac: {  	s1 =	simm.s32 $0x200;
	s12 =	sand.u32 $0x7800, s13;
	s13 =	sand.u32 $0x380, s29;
	[tilespmem:s8+$0x40] =	vst v9;
	v7 =	vld [tilespmem:s8+$0x8410]  }
.LBB2_7:
0xad: {  	p0 =	sne.s32 s1, $0x7F00;
	s12 =	sor.u32 s13, s12;
	[tilespmem:s8+$0x50] =	vst v6;
	v6 =	vld [tilespmem:s8+$0x8420]  }
0xae: {  	v8 =	vld [tilespmem:s12+$0x8430];
	[tilespmem:s8+$0x60] =	vst v3  }
0xaf: {  	v3 =	vld [tilespmem:s12+$0x8000];
	[tilespmem:s8+$0x70] =	vst v4  }
0xb0: {  	v4 =	vld [tilespmem:s12+$0x8010];
	[tilespmem:s8+$0x400] =	vst v5  }
0xb1: {  	v5 =	vld [tilespmem:s12+$0x8020];
	[tilespmem:s8+$0x410] =	vst v7  }
0xb2: {  	v7 =	vld [tilespmem:s12+$0x8030];
	[tilespmem:s8+$0x420] =	vst v6;
	s8 =	smov.u32 s12  }
0xb3: {  	v9 =	vld [tilespmem:s8+$0x8040];
	[tilespmem:s8+$0x430] =	vst v8  }
.Ltmp2:
0xb4: {  	[tilespmem:s8+$0x0] =	vst v3;
	v6 =	vld [tilespmem:s8+$0x8050];
	(pc) =	sbr.rel @p0 .LBB2_7-.Ltmp2, $4  }
0xb5: {  	[tilespmem:s8+$0x10] =	vst v4;
	v3 =	vld [tilespmem:s8+$0x8060]  }
0xb6: {  	[tilespmem:s8+$0x20] =	vst v5;
	v4 =	vld [tilespmem:s8+$0x8070]  }
0xb7: {  	s29 =	sadd.s32 $0x80, s29;
	[tilespmem:s8+$0x30] =	vst v7;
	v5 =	vld [tilespmem:s8+$0x8400]  }
0xb8: {  	s13 =	sand.u32 $0x380, s29;
	s12 =	sand.u32 $0x7800, s1;
	s1 =	sadd.s32 $0x100, s1;
	[tilespmem:s8+$0x40] =	vst v9;
	v7 =	vld [tilespmem:s8+$0x8410]  }
0xb9: {  	[tilespmem:s8+$0x50] =	vst v6;
	s1 =	sor.u32 s13, s12;
	v59 =	vld [tilespmem:s8+$0x8420]  }
0xba: {  	v8 =	vld [tilespmem:s1+$0x8430];
	[tilespmem:s8+$0x60] =	vst v3  }
0xbb: {  	v3 =	vld [tilespmem:s1+$0x8000];
	[tilespmem:s8+$0x70] =	vst v4  }
0xbc: {  	v4 =	vld [tilespmem:s1+$0x8010];
	[tilespmem:s8+$0x400] =	vst v5  }
0xbd: {  	v5 =	vld [tilespmem:s1+$0x8020];
	[tilespmem:s8+$0x410] =	vst v7  }
0xbe: {  	v7 =	vld [tilespmem:s1+$0x8030];
	[tilespmem:s8+$0x420] =	vst v59  }
0xbf: {  	v6 =	vld [tilespmem:s1+$0x8040];
	[tilespmem:s1+$0x430] =	vst v8  }
0xc0: {  	[tilespmem:s1+$0x0] =	vst v3;
	v3 =	vld [tilespmem:s1+$0x8050]  }
0xc1: {  	v60 =	vld [tilespmem:s1+$0x8060];
	[tilespmem:s1+$0x10] =	vst v4  }
0xc2: {  	v61 =	vld [tilespmem:s1+$0x8070];
	[tilespmem:s1+$0x20] =	vst v5  }
0xc3: {  	v62 =	vld [tilespmem:s1+$0x8400];
	[tilespmem:s1+$0x30] =	vst v7  }
0xc4: {  	v63 =	vld [tilespmem:s1+$0x8410];
	[tilespmem:s1+$0x40] =	vst v6  }
0xc5: {  	[tilespmem:s1+$0x50] =	vst v3;
	v3 =	vld [tilespmem:s1+$0x8420]  }
0xc6: {  	[tilespmem:s1+$0x60] =	vst v60  }
0xc7: {  	[tilespmem:s1+$0x70] =	vst v61  }
0xc8: {  	s3 =	sshll.u32 s3, $0xF;
	s31 =	sadd.s32 $0x1, s31;
	[tilespmem:s1+$0x400] =	vst v62  }
0xc9: {  	s0 =	sshll.u32 s0, $0x5;
	s3 =	sadd.s32 s5, s3;
	p0 =	sne.s32 s31, $0x20;
	[tilespmem:s1+$0x410] =	vst v63  }
.Ltmp3:
0xca: {  	s0 =	sadd.s32 s0, s3;
	[tilespmem:s1+$0x420] =	vst v3;
	(pc) =	sbr.rel @p0 .LBB2_6-.Ltmp3, $4  }
0xcb: {  	[hbm4b:s0+s2] =	stream.linear.scatter [tilespmem:s2], [sflag:$0x2], $0x8000, $0x38;
	[tilespmem:$0x10080] =	vst v63  }
0xcc: {  	_ =	swait.ge [sflag:s11], $0x8000  }
0xcd: {  	[sflag:s11] =	ssyncset.done $0x0  }
0xce: {  	[sflag:s11] =	ssyncadd.s32 $0xFFFF8000  }
0xcf: {  	s1 =	rddreg [dreg:$0x4]  }
0xd0: {  	s0 =	rddreg [dreg:$0x3];
	s1 =	sadd.s32 $0x1, s1  }
0xd1: {  	p0 =	sne.s32 s1, s0  }
.Ltmp4:
0xd2: {  	_ = 	snop;
	(pc) =	sbr.rel @p0 .LBB2_1-.Ltmp4, $1  }
0xd3: {  	_ =	sdelay $0x3  }
0xd4: {  	_ =	sfence.sel $0x180000  }
0xd5: {  	[bflag:$0x0] =	sbarrier.arrive $0xFFFF  }
0xd6: {  	_ =	strace $0x90000047  }
0xd7: {  	s0 =	stileid.u32;
	[bflag:$0x2] =	sbarrier.arrive $0xFFFF  }
0xd8: {  	p0 =	sne.s32 s0, $0x0;
	s0 =	rddreg [dreg:$0x2]  }
0xd9: {  	s0 =	sadd.s32 @!p0 $0x100000, s0  }
0xda: {  	[sflag:s0] =	ssyncadd.tile.s32 @!p0 $0x1;
	_ =	shalt  }
.Lfunc_end2:
_tile_overlayer_lowered:
.L_overlay_start_2:
0xdb: {  	(tag) =	ssettag $0x2  }
0xdc: {  	s0 =	rddreg [dreg:$0x0];
	s2 =	stileid.u32  }
0xdd: {  	s1 =	rddreg [dreg:$0x1];
	p0 =	sne.s32 s2, $0x0  }
0xde: {  	s3 =	rddreg [dreg:$0x2];
	[bflag:$0x3] =	sbarrier.arrive $0xFFFF;
	s2 =	simm.s32 @!p0 $0x1C03  }
0xdf: {  	[timem:s3], [sflag:s2] =	dma.local @!p0 [hbm:s0], s1  }
0xe0: {  	s0 =	simm.s32 @!p0 $0x3  }
0xe1: {  	_ =	swait.ge @!p0 [sflag:s0], s1  }
0xe2: {  	s1 =	ssub.s32 @!p0 $0x0, s1;
	[sflag:s0] =	ssyncset.done @!p0 $0x0  }
0xe3: {  	[sflag:s0] =	ssyncadd.s32 @!p0 s1  }
0xe4: {  	[bflag:$0x3] =	sbarrier.arrive $0xFFFF  }
0xe5: {  	_ =	shalt  }

</sc_bundles>
